<compile_context>
chip_gen: v7x
topology: tpu7x:2x2x1
jax: 0.10.2.dev20260603
libtpu: 0.0.44.dev20260713+nightly
codegen_flags: <defaults>
</compile_context>

<pallas_src>
import functools

import jax
import jax.numpy as jnp
from jax import lax
from jax.experimental import pallas as pl
from jax.experimental.pallas import tpu as pltpu
from jax.experimental.pallas import tpu_sc as plsc

B = 64
N2 = 361
RPAD = 368
ZPAD = 384
MPAD = 3712
NG = 91
FLATB = 131072
FLATW = FLATB // 4


def _sc_body(cap_hbm, zt_hbm, scal_hbm, nh_hbm, mvm, ztv, dpl, dop, tbl,
             scv, nhv):
    wid = lax.axis_index("s") * 2 + lax.axis_index("c")
    pltpu.sync_copy(zt_hbm, ztv)
    lanes = lax.iota(jnp.int32, 16)
    capw = cap_hbm.bitcast(jnp.int32)

    def one_batch(g, _):
        b = wid * 2 + g
        pltpu.sync_copy(capw.at[pl.ds(b * 256, 256)], mvm)
        pltpu.sync_copy(scal_hbm.at[b], scv)
        pv = scv[pl.ds(0, 16)]
        hashv = scv[pl.ds(16, 16)]
        is_p0 = pv == 0

        def build_d(i, _):
            z0 = ztv[pl.ds(i * 16, 16)]
            z1 = ztv[pl.ds(ZPAD + i * 16, 16)]
            z2 = ztv[pl.ds(2 * ZPAD + i * 16, 16)]
            d1 = z0 ^ z1
            d2 = z0 ^ z2
            dpl[pl.ds(i * 16, 16)] = jnp.where(is_p0, d1, d2)
            dop[pl.ds(i * 16, 16)] = jnp.where(is_p0, d2, d1)
            return 0

        lax.fori_loop(0, ZPAD // 16, build_d, 0)

        def build_t(G, _):
            gidx = G * 16 + lanes
            base = gidx * 16
            d = [plsc.load_gather(dop, [gidx * 4 + k]) for k in range(4)]
            vals = [jnp.zeros((16,), jnp.int32)] * 16
            for s in range(1, 16):
                lowk = (s & -s).bit_length() - 1
                vals[s] = vals[s & (s - 1)] ^ d[lowk]
            for s in range(16):
                plsc.store_scatter(tbl, [base + s], vals[s])
            return 0

        lax.fori_loop(0, 6, build_t, 0)

        def row_chunk(r, _):
            rows = jnp.minimum(r * 16 + lanes, N2 - 1)
            pbase = rows * N2
            q = pbase >> 2
            sh = (pbase & 3) * 8
            shc = 31 - sh

            def t_step(t, carry):
                acc, g_cur = carry
                wv = q + t + 1
                g_next = plsc.load_gather(mvm, [wv >> 7, wv & 127])
                al = lax.shift_right_logical(g_cur, sh) | (
                    (g_next << shc) << 1)
                idx = lax.shift_right_logical(al * 0x00204081, 21) & 15
                acc = acc ^ plsc.load_gather(tbl, [idx + t * 16])
                return acc, g_next

            cap, _ = lax.fori_loop(
                0, NG, t_step,
                (jnp.zeros((16,), jnp.int32),
                 plsc.load_gather(mvm, [q >> 7, q & 127])),
                unroll=7)
            pd = dpl[pl.ds(r * 16, 16)]
            nhv[pl.ds(r * 16, 16)] = hashv ^ pd ^ cap
            return 0

        lax.fori_loop(0, RPAD // 16, row_chunk, 0)
        pltpu.sync_copy(nhv, nh_hbm.at[b])
        return 0

    lax.fori_loop(0, 2, one_batch, 0)


_sc_hash = functools.partial(
    pl.kernel,
    out_type=jax.ShapeDtypeStruct((B, RPAD), jnp.int32),
    mesh=plsc.VectorSubcoreMesh(core_axis_name="c", subcore_axis_name="s"),
    scratch_types=[
        pltpu.VMEM((256, 128), jnp.int32),
        pltpu.VMEM((3 * ZPAD,), jnp.int32),
        pltpu.VMEM((ZPAD,), jnp.int32),
        pltpu.VMEM((ZPAD + 16,), jnp.int32),
        pltpu.VMEM((96 * 16,), jnp.int32),
        pltpu.VMEM((32,), jnp.int32),
        pltpu.VMEM((RPAD,), jnp.int32),
    ],
    compiler_params=pltpu.CompilerParams(needs_layout_passes=False),
)(_sc_body)


CH = 232


def _tc_body(nh_ref, hist_ref, mc_ref, legal_ref, out_ref):
    mc = mc_ref[pl.program_id(0), 0]
    nh = nh_ref[0]

    def chunk(c, rep):
        h = hist_ref[0, pl.ds(c * CH, CH)]
        vi = lax.broadcasted_iota(jnp.int32, (CH, 1), 0) + c * CH
        hm = jnp.where(vi < mc, h, -1)
        eq = hm == nh
        return rep | jnp.any(eq, axis=0, keepdims=True).astype(jnp.int32)

    nchunks = (mc + (CH - 1)) // CH
    rep = lax.fori_loop(0, nchunks, chunk, jnp.zeros((1, RPAD), jnp.int32))
    out_ref[0] = legal_ref[0] & (1 - rep)


def _tc_member(nh, hist_col, mc, legal):
    return pl.pallas_call(
        _tc_body,
        grid=(B,),
        in_specs=[
            pl.BlockSpec((1, 1, RPAD), lambda b: (b, 0, 0)),
            pl.BlockSpec((1, MPAD, 1), lambda b: (b, 0, 0)),
            pl.BlockSpec((B, 1), lambda b: (0, 0), memory_space=pltpu.SMEM),
            pl.BlockSpec((1, 1, RPAD), lambda b: (b, 0, 0)),
        ],
        out_specs=pl.BlockSpec((1, 1, RPAD), lambda b: (b, 0, 0)),
        out_shape=jax.ShapeDtypeStruct((B, 1, RPAD), jnp.int32),
    )(nh, hist_col, mc, legal)


def kernel(legal_mask, capture_stone_mask, current_player, current_hash,
           hash_history, move_count, Zpos):
    Bq, H, W = legal_mask.shape

    cap8 = capture_stone_mask.astype(jnp.uint8).reshape(B, N2 * N2)
    cap8 = jnp.pad(cap8, ((0, 0), (0, FLATB - N2 * N2)))
    cap8 = cap8.reshape(B, 256, 128, 4).transpose(0, 1, 3, 2).reshape(
        B * 1024, 128)

    zt = jnp.pad(Zpos.T, ((0, 0), (0, ZPAD - N2))).reshape(3 * ZPAD)
    scal = jnp.stack(
        [current_player.astype(jnp.int32), current_hash], axis=1)
    scal16 = jnp.broadcast_to(scal[:, :, None], (B, 2, 16)).reshape(B, 32)

    nh = _sc_hash(cap8, zt, scal16)

    hist_col = jnp.pad(
        hash_history, ((0, 0), (0, MPAD - hash_history.shape[1]))
    ).reshape(B, MPAD, 1)
    legal_i = jnp.pad(
        legal_mask.reshape(B, N2).astype(jnp.int32),
        ((0, 0), (0, RPAD - N2))).reshape(B, 1, RPAD)
    mc = move_count.reshape(B, 1)

    out = _tc_member(nh.reshape(B, 1, RPAD), hist_col, mc, legal_i)
    return out.reshape(B, RPAD)[:, :N2].astype(bool).reshape(B, H, W)

# --- scband reference (transcript-rebuilt; emitter-appended) ---
"""Pipeline reference for scband-tensor-board-4423816315113 (READ-ONLY COPY).

The authoritative reference and input builder live on the scoring server;
editing this copy changes nothing except your own understanding.
"""

import jax, jax.numpy as jnp
import numpy as np


def xor_reduce_last_dim(x):
    B_, N2_, K = x.shape
    P = 1 << (K - 1).bit_length()
    if P != K:
        x = jnp.concatenate([x, jnp.zeros((B_, N2_, P - K), dtype=x.dtype)], axis=2)
        K = P
    while K > 1:
        half = K // 2
        x = jnp.bitwise_xor(x[:, :, :half], x[:, :, half:K])
        K = half
    return x[:, :, 0]


def setup_inputs(seed: int = 0) -> dict:
    key = jax.random.key(seed)
    ks = jax.random.split(key, 8)
    B, H, W = 64, 19, 19
    N2 = H * W
    M = N2 * 10  # history_factor = 10
    legal_mask = jax.random.bernoulli(ks[0], 0.4, (B, H, W))
    capture_stone_mask = jax.random.bernoulli(ks[1], 0.02, (B, N2, N2))
    current_player = jax.random.randint(ks[2], (B,), 0, 2, dtype=jnp.int32)
    current_hash = jax.random.randint(ks[3], (B,), 0, 2**31 - 1, dtype=jnp.int32)
    hash_history = jax.random.randint(ks[4], (B, M), 0, 2**31 - 1, dtype=jnp.int32)
    move_count = jax.random.randint(ks[5], (B,), 0, M, dtype=jnp.int32)
    Zpos = jax.random.randint(ks[6], (N2, 3), 0, 2**31 - 1, dtype=jnp.int32)
    return {
        "legal_mask": legal_mask,
        "capture_stone_mask": capture_stone_mask,
        "current_player": current_player,
        "current_hash": current_hash,
        "hash_history": hash_history,
        "move_count": move_count,
        "Zpos": Zpos,
    }


def reference(legal_mask, capture_stone_mask, current_player, current_hash, hash_history, move_count, Zpos):
    B, H, W = legal_mask.shape
    N2 = H * W
    legal_flat = legal_mask.reshape(B, N2)
    cand_mask = legal_flat
    player = current_player.astype(jnp.int32)
    opp = 1 - player
    lin = jnp.broadcast_to(jnp.arange(N2, dtype=jnp.int32)[None, :], (B, N2))
    empty_col = jnp.zeros((B, 1), dtype=jnp.int32)
    player_col = (player + 1)[:, None]
    # gather Zobrist keys for placing a stone (empty -> player)
    place_old = Zpos[lin, empty_col]
    place_new = Zpos[lin, player_col]
    place_delta = jnp.bitwise_xor(place_old, place_new)
    ZposT = Zpos.T  # (3, N2)
    Z_emp = jnp.broadcast_to(ZposT[0][None, :], (B, N2))
    Z_opp = ZposT[opp + 1]  # (B, N2) gather by opponent color
    D = jnp.bitwise_xor(Z_opp, Z_emp)
    zeros_ = jnp.zeros((1, 1, N2), dtype=jnp.int32)
    sel = jnp.where(capture_stone_mask, D[:, None, :], zeros_)
    cap_delta = xor_reduce_last_dim(sel)
    new_hash = jnp.bitwise_xor(jnp.bitwise_xor(current_hash[:, None], place_delta), cap_delta)
    M = hash_history.shape[1]
    hist_mask = jnp.arange(M)[None, :] < move_count[:, None]
    is_repeat_flat = jnp.zeros((B, N2), dtype=bool)
    HIST_CHUNK = 64
    for s in range(0, M, HIST_CHUNK):
        e = min(s + HIST_CHUNK, M)
        h = hash_history[:, s:e]
        m = hist_mask[:, s:e]
        eq = new_hash[:, :, None] == h[:, None, :]
        eq = jnp.logical_and(eq, m[:, None, :])
        is_repeat_flat = jnp.logical_or(is_repeat_flat, eq.any(axis=2))
    is_repeat_flat = jnp.logical_and(is_repeat_flat, cand_mask)
    repeat_mask = is_repeat_flat.reshape(B, H, W)
    return jnp.logical_and(legal_mask, jnp.logical_not(repeat_mask))

if __name__ == "__main__":
    import jax
    _d = setup_inputs()
    print(jax.jit(kernel)(*tuple(_d.values())))

</pallas_src>

<mosaic_0001>
#map = affine_map<(d0, d1) -> (0, 0)>
#map1 = affine_map<(d0, d1) -> (0)>
module attributes {stable_mosaic.version = 14 : i64} {
  func.func @_sc_body(%arg0: i32, %arg1: i32, %arg2: memref<65536x128xi8, #tpu.memory_space<hbm>>, %arg3: memref<1152xi32, #tpu.memory_space<hbm>>, %arg4: memref<64x32xi32, #tpu.memory_space<hbm>>, %arg5: memref<64x368xi32, #tpu.memory_space<hbm>>, %arg6: memref<256x128xi32, #tpu.memory_space<vmem>>, %arg7: memref<1152xi32, #tpu.memory_space<vmem>>, %arg8: memref<384xi32, #tpu.memory_space<vmem>>, %arg9: memref<400xi32, #tpu.memory_space<vmem>>, %arg10: memref<1536xi32, #tpu.memory_space<vmem>>, %arg11: memref<32xi32, #tpu.memory_space<vmem>>, %arg12: memref<368xi32, #tpu.memory_space<vmem>>) attributes {dimension_semantics = [#tpu.dimension_semantics<core_parallel>, #tpu.dimension_semantics<subcore_parallel>], iteration_bounds = array<i64: 2, 16>, scalar_prefetch = 0 : i64, scratch_operands = 7 : i64, tpu.core_type = #tpu.core_type<sc_vector_subcore>, window_params = [{transform_indices = #map}, {transform_indices = #map1}, {transform_indices = #map}, {transform_indices = #map}]} {
    %mul3A = arith.constant 2 : i32
    %mul3A_0 = arith.muli %arg1, %mul3A : i32
    %add3A = arith.addi %mul3A_0, %arg0 : i32
    "tpu.region"() ({
      %run_scoped3A = tpu.sem_alloc : memref<!tpu.dma_semaphore, #tpu.memory_space<semaphore_mem>>
      tpu.enqueue_dma source(%arg3 : memref<1152xi32, #tpu.memory_space<hbm>>) target(%arg7 : memref<1152xi32, #tpu.memory_space<vmem>>) target_semaphore(%run_scoped3A : memref<!tpu.dma_semaphore, #tpu.memory_space<semaphore_mem>>)
      tpu.wait_dma2 semaphore(%run_scoped3A : memref<!tpu.dma_semaphore, #tpu.memory_space<semaphore_mem>>) src(%arg3 : memref<1152xi32, #tpu.memory_space<hbm>>) dst(%arg7 : memref<1152xi32, #tpu.memory_space<vmem>>)
      tpu.yield
    }) : () -> ()
    %iota3A = tpu.iota {dimensions = array<i32: 0>} : vector<16xi32>
    %scan3A = arith.constant 0 : i32
    %scan3A_1 = arith.constant 0 : i32
    %scan3A_2 = arith.constant 2 : i32
    %scan3A_3 = arith.addi %scan3A_1, %scan3A_2 : i32
    %scan3A_4 = arith.constant 1 : i32
    %scan3A_5 = scf.for %scan3A_7 = %scan3A_1 to %scan3A_3 step %scan3A_4 iter_args(%scan3A_8 = %scan3A) -> (i32)  : i32 {
      %mul3A_9 = arith.constant 2 : i32
      %mul3A_10 = arith.muli %add3A, %mul3A_9 : i32
      %add3A_11 = arith.addi %mul3A_10, %scan3A_7 : i32
      %mul3A_12 = arith.constant 256 : i32
      %mul3A_13 = arith.muli %add3A_11, %mul3A_12 : i32
      "tpu.region"() ({
        %run_scoped3A = tpu.sem_alloc : memref<!tpu.dma_semaphore, #tpu.memory_space<semaphore_mem>>
        %dma_start3A = tpu.memref_bitcast %arg2 : memref<65536x128xi8, #tpu.memory_space<hbm>> -> memref<16384x128xi32, #tpu.memory_space<hbm>>
        %dma_start3A_41 = arith.constant 0 : i32
        %dma_start3A_42 = tpu.memref_slice %dma_start3A[%mul3A_13, %dma_start3A_41] : memref<16384x128xi32, #tpu.memory_space<hbm>> -> memref<256x128xi32, #tpu.memory_space<hbm>>
        %dma_start3A_43 = tpu.memref_bitcast %arg2 : memref<65536x128xi8, #tpu.memory_space<hbm>> -> memref<16384x128xi32, #tpu.memory_space<hbm>>
        %dma_start3A_44 = arith.constant 0 : i32
        %dma_start3A_45 = tpu.memref_slice %dma_start3A_43[%mul3A_13, %dma_start3A_44] : memref<16384x128xi32, #tpu.memory_space<hbm>> -> memref<256x128xi32, #tpu.memory_space<hbm>>
        tpu.enqueue_dma source(%dma_start3A_45 : memref<256x128xi32, #tpu.memory_space<hbm>>) target(%arg6 : memref<256x128xi32, #tpu.memory_space<vmem>>) target_semaphore(%run_scoped3A : memref<!tpu.dma_semaphore, #tpu.memory_space<semaphore_mem>>)
        %dma_wait3A = tpu.memref_bitcast %arg2 : memref<65536x128xi8, #tpu.memory_space<hbm>> -> memref<16384x128xi32, #tpu.memory_space<hbm>>
        %dma_wait3A_46 = arith.constant 0 : i32
        %dma_wait3A_47 = tpu.memref_slice %dma_wait3A[%mul3A_13, %dma_wait3A_46] : memref<16384x128xi32, #tpu.memory_space<hbm>> -> memref<256x128xi32, #tpu.memory_space<hbm>>
        %dma_wait3A_48 = tpu.memref_bitcast %arg2 : memref<65536x128xi8, #tpu.memory_space<hbm>> -> memref<16384x128xi32, #tpu.memory_space<hbm>>
        %dma_wait3A_49 = arith.constant 0 : i32
        %dma_wait3A_50 = tpu.memref_slice %dma_wait3A_48[%mul3A_13, %dma_wait3A_49] : memref<16384x128xi32, #tpu.memory_space<hbm>> -> memref<256x128xi32, #tpu.memory_space<hbm>>
        tpu.wait_dma2 semaphore(%run_scoped3A : memref<!tpu.dma_semaphore, #tpu.memory_space<semaphore_mem>>) src(%dma_wait3A_50 : memref<256x128xi32, #tpu.memory_space<hbm>>) dst(%arg6 : memref<256x128xi32, #tpu.memory_space<vmem>>)
        tpu.yield
      }) : () -> ()
      "tpu.region"() ({
        %run_scoped3A = tpu.sem_alloc : memref<!tpu.dma_semaphore, #tpu.memory_space<semaphore_mem>>
        %dma_start3A = arith.constant 0 : i32
        %dma_start3A_41 = tpu.memref_slice %arg4[%add3A_11, %dma_start3A] : memref<64x32xi32, #tpu.memory_space<hbm>> -> memref<1x32xi32, #tpu.memory_space<hbm>>
        %dma_start3A_42 = tpu.memref_squeeze %dma_start3A_41 : memref<1x32xi32, #tpu.memory_space<hbm>> -> memref<32xi32, #tpu.memory_space<hbm>>
        %dma_start3A_43 = arith.constant 0 : i32
        %dma_start3A_44 = tpu.memref_slice %arg4[%add3A_11, %dma_start3A_43] : memref<64x32xi32, #tpu.memory_space<hbm>> -> memref<1x32xi32, #tpu.memory_space<hbm>>
        %dma_start3A_45 = tpu.memref_squeeze %dma_start3A_44 : memref<1x32xi32, #tpu.memory_space<hbm>> -> memref<32xi32, #tpu.memory_space<hbm>>
        tpu.enqueue_dma source(%dma_start3A_45 : memref<32xi32, #tpu.memory_space<hbm>>) target(%arg11 : memref<32xi32, #tpu.memory_space<vmem>>) target_semaphore(%run_scoped3A : memref<!tpu.dma_semaphore, #tpu.memory_space<semaphore_mem>>)
        %dma_wait3A = arith.constant 0 : i32
        %dma_wait3A_46 = tpu.memref_slice %arg4[%add3A_11, %dma_wait3A] : memref<64x32xi32, #tpu.memory_space<hbm>> -> memref<1x32xi32, #tpu.memory_space<hbm>>
        %dma_wait3A_47 = tpu.memref_squeeze %dma_wait3A_46 : memref<1x32xi32, #tpu.memory_space<hbm>> -> memref<32xi32, #tpu.memory_space<hbm>>
        %dma_wait3A_48 = arith.constant 0 : i32
        %dma_wait3A_49 = tpu.memref_slice %arg4[%add3A_11, %dma_wait3A_48] : memref<64x32xi32, #tpu.memory_space<hbm>> -> memref<1x32xi32, #tpu.memory_space<hbm>>
        %dma_wait3A_50 = tpu.memref_squeeze %dma_wait3A_49 : memref<1x32xi32, #tpu.memory_space<hbm>> -> memref<32xi32, #tpu.memory_space<hbm>>
        tpu.wait_dma2 semaphore(%run_scoped3A : memref<!tpu.dma_semaphore, #tpu.memory_space<semaphore_mem>>) src(%dma_wait3A_50 : memref<32xi32, #tpu.memory_space<hbm>>) dst(%arg11 : memref<32xi32, #tpu.memory_space<vmem>>)
        tpu.yield
      }) : () -> ()
      %get3A = arith.constant 0 : index
      %get3A_14 = tpu.vector_load %arg11[%get3A] {strides = array<i32>} : memref<32xi32, #tpu.memory_space<vmem>>, vector<16xi32>,
      %get3A_15 = arith.constant 16 : index
      %get3A_16 = tpu.vector_load %arg11[%get3A_15] {strides = array<i32>} : memref<32xi32, #tpu.memory_space<vmem>>, vector<16xi32>,
      %eq3A = arith.constant 0 : i32
      %eq3A_17 = vector.broadcast %eq3A : i32 to vector<16xi32>
      %eq3A_18 = arith.cmpi eq, %get3A_14, %eq3A_17 : vector<16xi32>
      %scan3A_19 = arith.constant 0 : i32
      %scan3A_20 = arith.constant 0 : i32
      %scan3A_21 = arith.constant 24 : i32
      %scan3A_22 = arith.addi %scan3A_20, %scan3A_21 : i32
      %scan3A_23 = arith.constant 1 : i32
      %scan3A_24 = scf.for %scan3A_41 = %scan3A_20 to %scan3A_22 step %scan3A_23 iter_args(%scan3A_42 = %scan3A_19) -> (i32)  : i32 {
        %mul3A_43 = arith.constant 16 : i32
        %mul3A_44 = arith.muli %scan3A_41, %mul3A_43 : i32
        %get3A_45 = arith.index_cast %mul3A_44 : i32 to index
        %get3A_46 = tpu.vector_load %arg7[%get3A_45] {strides = array<i32>} : memref<1152xi32, #tpu.memory_space<vmem>>, vector<16xi32>,
        %mul3A_47 = arith.constant 16 : i32
        %mul3A_48 = arith.muli %scan3A_41, %mul3A_47 : i32
        %add3A_49 = arith.constant 384 : i32
        %add3A_50 = arith.addi %add3A_49, %mul3A_48 : i32
        %get3A_51 = arith.index_cast %add3A_50 : i32 to index
        %get3A_52 = tpu.vector_load %arg7[%get3A_51] {strides = array<i32>} : memref<1152xi32, #tpu.memory_space<vmem>>, vector<16xi32>,
        %mul3A_53 = arith.constant 16 : i32
        %mul3A_54 = arith.muli %scan3A_41, %mul3A_53 : i32
        %add3A_55 = arith.constant 768 : i32
        %add3A_56 = arith.addi %add3A_55, %mul3A_54 : i32
        %get3A_57 = arith.index_cast %add3A_56 : i32 to index
        %get3A_58 = tpu.vector_load %arg7[%get3A_57] {strides = array<i32>} : memref<1152xi32, #tpu.memory_space<vmem>>, vector<16xi32>,
        %xor3A = arith.xori %get3A_46, %get3A_52 : vector<16xi32>
        %xor3A_59 = arith.xori %get3A_46, %get3A_58 : vector<16xi32>
        %select_n3A = arith.select %eq3A_18, %xor3A, %xor3A_59 : vector<16xi1>, vector<16xi32>
        %mul3A_60 = arith.constant 16 : i32
        %mul3A_61 = arith.muli %scan3A_41, %mul3A_60 : i32
        %swap3A = arith.index_cast %mul3A_61 : i32 to index
        %swap3A_62 = tpu.vector_load %arg8[%swap3A] {strides = array<i32>} : memref<384xi32, #tpu.memory_space<vmem>>, vector<16xi32>,
        tpu.vector_store %arg8[%swap3A], %select_n3A {strides = array<i32>} : memref<384xi32, #tpu.memory_space<vmem>>, vector<16xi32>,
        %select_n3A_63 = arith.select %eq3A_18, %xor3A_59, %xor3A : vector<16xi1>, vector<16xi32>
        %mul3A_64 = arith.constant 16 : i32
        %mul3A_65 = arith.muli %scan3A_41, %mul3A_64 : i32
        %swap3A_66 = arith.index_cast %mul3A_65 : i32 to index
        %swap3A_67 = tpu.vector_load %arg9[%swap3A_66] {strides = array<i32>} : memref<400xi32, #tpu.memory_space<vmem>>, vector<16xi32>,
        tpu.vector_store %arg9[%swap3A_66], %select_n3A_63 {strides = array<i32>} : memref<400xi32, #tpu.memory_space<vmem>>, vector<16xi32>,
        %scan3A_68 = arith.constant 0 : i32
        scf.yield %scan3A_68 : i32
      }
      %scan3A_25 = arith.constant 24 : i32
      %scan3A_26 = arith.constant 0 : i32
      %scan3A_27 = arith.constant 0 : i32
      %scan3A_28 = arith.constant 6 : i32
      %scan3A_29 = arith.addi %scan3A_27, %scan3A_28 : i32
      %scan3A_30 = arith.constant 1 : i32
      %scan3A_31 = scf.for %scan3A_41 = %scan3A_27 to %scan3A_29 step %scan3A_30 iter_args(%scan3A_42 = %scan3A_26) -> (i32)  : i32 {
        %mul3A_43 = arith.constant 16 : i32
        %mul3A_44 = arith.muli %scan3A_41, %mul3A_43 : i32
        %add3A_45 = vector.broadcast %mul3A_44 : i32 to vector<16xi32>
        %add3A_46 = arith.addi %add3A_45, %iota3A : vector<16xi32>
        %mul3A_47 = arith.constant 16 : i32
        %mul3A_48 = vector.broadcast %mul3A_47 : i32 to vector<16xi32>
        %mul3A_49 = arith.muli %add3A_46, %mul3A_48 : vector<16xi32>
        %mul3A_50 = arith.constant 4 : i32
        %mul3A_51 = vector.broadcast %mul3A_50 : i32 to vector<16xi32>
        %mul3A_52 = arith.muli %add3A_46, %mul3A_51 : vector<16xi32>
        %add3A_53 = arith.constant 0 : i32
        %add3A_54 = vector.broadcast %add3A_53 : i32 to vector<16xi32>
        %add3A_55 = arith.addi %mul3A_52, %add3A_54 : vector<16xi32>
        %gather3A = tpu.vector_load_idx %arg9[%add3A_55] : memref<400xi32, #tpu.memory_space<vmem>>[vector<16xi32>], vector<16xi32>,
        %mul3A_56 = arith.constant 4 : i32
        %mul3A_57 = vector.broadcast %mul3A_56 : i32 to vector<16xi32>
        %mul3A_58 = arith.muli %add3A_46, %mul3A_57 : vector<16xi32>
        %add3A_59 = arith.constant 1 : i32
        %add3A_60 = vector.broadcast %add3A_59 : i32 to vector<16xi32>
        %add3A_61 = arith.addi %mul3A_58, %add3A_60 : vector<16xi32>
        %gather3A_62 = tpu.vector_load_idx %arg9[%add3A_61] : memref<400xi32, #tpu.memory_space<vmem>>[vector<16xi32>], vector<16xi32>,
        %mul3A_63 = arith.constant 4 : i32
        %mul3A_64 = vector.broadcast %mul3A_63 : i32 to vector<16xi32>
        %mul3A_65 = arith.muli %add3A_46, %mul3A_64 : vector<16xi32>
        %add3A_66 = arith.constant 2 : i32
        %add3A_67 = vector.broadcast %add3A_66 : i32 to vector<16xi32>
        %add3A_68 = arith.addi %mul3A_65, %add3A_67 : vector<16xi32>
        %gather3A_69 = tpu.vector_load_idx %arg9[%add3A_68] : memref<400xi32, #tpu.memory_space<vmem>>[vector<16xi32>], vector<16xi32>,
        %mul3A_70 = arith.constant 4 : i32
        %mul3A_71 = vector.broadcast %mul3A_70 : i32 to vector<16xi32>
        %mul3A_72 = arith.muli %add3A_46, %mul3A_71 : vector<16xi32>
        %add3A_73 = arith.constant 3 : i32
        %add3A_74 = vector.broadcast %add3A_73 : i32 to vector<16xi32>
        %add3A_75 = arith.addi %mul3A_72, %add3A_74 : vector<16xi32>
        %gather3A_76 = tpu.vector_load_idx %arg9[%add3A_75] : memref<400xi32, #tpu.memory_space<vmem>>[vector<16xi32>], vector<16xi32>,
        %broadcast_in_dim3A = arith.constant 0 : i32
        %broadcast_in_dim3A_77 = vector.broadcast %broadcast_in_dim3A : i32 to vector<16xi32>
        %xor3A = arith.xori %broadcast_in_dim3A_77, %gather3A : vector<16xi32>
        %xor3A_78 = arith.xori %broadcast_in_dim3A_77, %gather3A_62 : vector<16xi32>
        %xor3A_79 = arith.xori %xor3A_78, %gather3A : vector<16xi32>
        %xor3A_80 = arith.xori %broadcast_in_dim3A_77, %gather3A_69 : vector<16xi32>
        %xor3A_81 = arith.xori %xor3A_80, %gather3A : vector<16xi32>
        %xor3A_82 = arith.xori %xor3A_80, %gather3A_62 : vector<16xi32>
        %xor3A_83 = arith.xori %xor3A_82, %gather3A : vector<16xi32>
        %xor3A_84 = arith.xori %broadcast_in_dim3A_77, %gather3A_76 : vector<16xi32>
        %xor3A_85 = arith.xori %xor3A_84, %gather3A : vector<16xi32>
        %xor3A_86 = arith.xori %xor3A_84, %gather3A_62 : vector<16xi32>
        %xor3A_87 = arith.xori %xor3A_86, %gather3A : vector<16xi32>
        %xor3A_88 = arith.xori %xor3A_84, %gather3A_69 : vector<16xi32>
        %xor3A_89 = arith.xori %xor3A_88, %gather3A : vector<16xi32>
        %xor3A_90 = arith.xori %xor3A_88, %gather3A_62 : vector<16xi32>
        %xor3A_91 = arith.xori %xor3A_90, %gather3A : vector<16xi32>
        %add3A_92 = arith.constant 0 : i32
        %add3A_93 = vector.broadcast %add3A_92 : i32 to vector<16xi32>
        %add3A_94 = arith.addi %mul3A_49, %add3A_93 : vector<16xi32>
        tpu.vector_store_idx %arg10[%add3A_94], %broadcast_in_dim3A_77 : memref<1536xi32, #tpu.memory_space<vmem>>[vector<16xi32>], vector<16xi32>,
        %add3A_95 = arith.constant 1 : i32
        %add3A_96 = vector.broadcast %add3A_95 : i32 to vector<16xi32>
        %add3A_97 = arith.addi %mul3A_49, %add3A_96 : vector<16xi32>
        tpu.vector_store_idx %arg10[%add3A_97], %xor3A : memref<1536xi32, #tpu.memory_space<vmem>>[vector<16xi32>], vector<16xi32>,
        %add3A_98 = arith.constant 2 : i32
        %add3A_99 = vector.broadcast %add3A_98 : i32 to vector<16xi32>
        %add3A_100 = arith.addi %mul3A_49, %add3A_99 : vector<16xi32>
        tpu.vector_store_idx %arg10[%add3A_100], %xor3A_78 : memref<1536xi32, #tpu.memory_space<vmem>>[vector<16xi32>], vector<16xi32>,
        %add3A_101 = arith.constant 3 : i32
        %add3A_102 = vector.broadcast %add3A_101 : i32 to vector<16xi32>
        %add3A_103 = arith.addi %mul3A_49, %add3A_102 : vector<16xi32>
        tpu.vector_store_idx %arg10[%add3A_103], %xor3A_79 : memref<1536xi32, #tpu.memory_space<vmem>>[vector<16xi32>], vector<16xi32>,
        %add3A_104 = arith.constant 4 : i32
        %add3A_105 = vector.broadcast %add3A_104 : i32 to vector<16xi32>
        %add3A_106 = arith.addi %mul3A_49, %add3A_105 : vector<16xi32>
        tpu.vector_store_idx %arg10[%add3A_106], %xor3A_80 : memref<1536xi32, #tpu.memory_space<vmem>>[vector<16xi32>], vector<16xi32>,
        %add3A_107 = arith.constant 5 : i32
        %add3A_108 = vector.broadcast %add3A_107 : i32 to vector<16xi32>
        %add3A_109 = arith.addi %mul3A_49, %add3A_108 : vector<16xi32>
        tpu.vector_store_idx %arg10[%add3A_109], %xor3A_81 : memref<1536xi32, #tpu.memory_space<vmem>>[vector<16xi32>], vector<16xi32>,
        %add3A_110 = arith.constant 6 : i32
        %add3A_111 = vector.broadcast %add3A_110 : i32 to vector<16xi32>
        %add3A_112 = arith.addi %mul3A_49, %add3A_111 : vector<16xi32>
        tpu.vector_store_idx %arg10[%add3A_112], %xor3A_82 : memref<1536xi32, #tpu.memory_space<vmem>>[vector<16xi32>], vector<16xi32>,
        %add3A_113 = arith.constant 7 : i32
        %add3A_114 = vector.broadcast %add3A_113 : i32 to vector<16xi32>
        %add3A_115 = arith.addi %mul3A_49, %add3A_114 : vector<16xi32>
        tpu.vector_store_idx %arg10[%add3A_115], %xor3A_83 : memref<1536xi32, #tpu.memory_space<vmem>>[vector<16xi32>], vector<16xi32>,
        %add3A_116 = arith.constant 8 : i32
        %add3A_117 = vector.broadcast %add3A_116 : i32 to vector<16xi32>
        %add3A_118 = arith.addi %mul3A_49, %add3A_117 : vector<16xi32>
        tpu.vector_store_idx %arg10[%add3A_118], %xor3A_84 : memref<1536xi32, #tpu.memory_space<vmem>>[vector<16xi32>], vector<16xi32>,
        %add3A_119 = arith.constant 9 : i32
        %add3A_120 = vector.broadcast %add3A_119 : i32 to vector<16xi32>
        %add3A_121 = arith.addi %mul3A_49, %add3A_120 : vector<16xi32>
        tpu.vector_store_idx %arg10[%add3A_121], %xor3A_85 : memref<1536xi32, #tpu.memory_space<vmem>>[vector<16xi32>], vector<16xi32>,
        %add3A_122 = arith.constant 10 : i32
        %add3A_123 = vector.broadcast %add3A_122 : i32 to vector<16xi32>
        %add3A_124 = arith.addi %mul3A_49, %add3A_123 : vector<16xi32>
        tpu.vector_store_idx %arg10[%add3A_124], %xor3A_86 : memref<1536xi32, #tpu.memory_space<vmem>>[vector<16xi32>], vector<16xi32>,
        %add3A_125 = arith.constant 11 : i32
        %add3A_126 = vector.broadcast %add3A_125 : i32 to vector<16xi32>
        %add3A_127 = arith.addi %mul3A_49, %add3A_126 : vector<16xi32>
        tpu.vector_store_idx %arg10[%add3A_127], %xor3A_87 : memref<1536xi32, #tpu.memory_space<vmem>>[vector<16xi32>], vector<16xi32>,
        %add3A_128 = arith.constant 12 : i32
        %add3A_129 = vector.broadcast %add3A_128 : i32 to vector<16xi32>
        %add3A_130 = arith.addi %mul3A_49, %add3A_129 : vector<16xi32>
        tpu.vector_store_idx %arg10[%add3A_130], %xor3A_88 : memref<1536xi32, #tpu.memory_space<vmem>>[vector<16xi32>], vector<16xi32>,
        %add3A_131 = arith.constant 13 : i32
        %add3A_132 = vector.broadcast %add3A_131 : i32 to vector<16xi32>
        %add3A_133 = arith.addi %mul3A_49, %add3A_132 : vector<16xi32>
        tpu.vector_store_idx %arg10[%add3A_133], %xor3A_89 : memref<1536xi32, #tpu.memory_space<vmem>>[vector<16xi32>], vector<16xi32>,
        %add3A_134 = arith.constant 14 : i32
        %add3A_135 = vector.broadcast %add3A_134 : i32 to vector<16xi32>
        %add3A_136 = arith.addi %mul3A_49, %add3A_135 : vector<16xi32>
        tpu.vector_store_idx %arg10[%add3A_136], %xor3A_90 : memref<1536xi32, #tpu.memory_space<vmem>>[vector<16xi32>], vector<16xi32>,
        %add3A_137 = arith.constant 15 : i32
        %add3A_138 = vector.broadcast %add3A_137 : i32 to vector<16xi32>
        %add3A_139 = arith.addi %mul3A_49, %add3A_138 : vector<16xi32>
        tpu.vector_store_idx %arg10[%add3A_139], %xor3A_91 : memref<1536xi32, #tpu.memory_space<vmem>>[vector<16xi32>], vector<16xi32>,
        %scan3A_140 = arith.constant 0 : i32
        scf.yield %scan3A_140 : i32
      }
      %scan3A_32 = arith.constant 6 : i32
      %scan3A_33 = arith.constant 0 : i32
      %scan3A_34 = arith.constant 0 : i32
      %scan3A_35 = arith.constant 23 : i32
      %scan3A_36 = arith.addi %scan3A_34, %scan3A_35 : i32
      %scan3A_37 = arith.constant 1 : i32
      %scan3A_38 = scf.for %scan3A_41 = %scan3A_34 to %scan3A_36 step %scan3A_37 iter_args(%scan3A_42 = %scan3A_33) -> (i32)  : i32 {
        %mul3A_43 = arith.constant 16 : i32
        %mul3A_44 = arith.muli %scan3A_41, %mul3A_43 : i32
        %add3A_45 = vector.broadcast %mul3A_44 : i32 to vector<16xi32>
        %add3A_46 = arith.addi %add3A_45, %iota3A : vector<16xi32>
        %min3A = arith.constant 360 : i32
        %min3A_47 = vector.broadcast %min3A : i32 to vector<16xi32>
        %min3A_48 = arith.minsi %add3A_46, %min3A_47 : vector<16xi32>
        %mul3A_49 = arith.constant 361 : i32
        %mul3A_50 = vector.broadcast %mul3A_49 : i32 to vector<16xi32>
        %mul3A_51 = arith.muli %min3A_48, %mul3A_50 : vector<16xi32>
        %shift_right_arithmetic3A = arith.constant 2 : i32
        %shift_right_arithmetic3A_52 = vector.broadcast %shift_right_arithmetic3A : i32 to vector<16xi32>
        %shift_right_arithmetic3A_53 = arith.shrsi %mul3A_51, %shift_right_arithmetic3A_52 : vector<16xi32>
        %and3A = arith.constant 3 : i32
        %and3A_54 = vector.broadcast %and3A : i32 to vector<16xi32>
        %and3A_55 = arith.andi %mul3A_51, %and3A_54 : vector<16xi32>
        %mul3A_56 = arith.constant 8 : i32
        %mul3A_57 = vector.broadcast %mul3A_56 : i32 to vector<16xi32>
        %mul3A_58 = arith.muli %and3A_55, %mul3A_57 : vector<16xi32>
        %sub3A = arith.constant 31 : i32
        %sub3A_59 = vector.broadcast %sub3A : i32 to vector<16xi32>
        %sub3A_60 = arith.subi %sub3A_59, %mul3A_58 : vector<16xi32>
        %broadcast_in_dim3A = arith.constant 0 : i32
        %broadcast_in_dim3A_61 = vector.broadcast %broadcast_in_dim3A : i32 to vector<16xi32>
        %shift_right_arithmetic3A_62 = arith.constant 7 : i32
        %shift_right_arithmetic3A_63 = vector.broadcast %shift_right_arithmetic3A_62 : i32 to vector<16xi32>
        %shift_right_arithmetic3A_64 = arith.shrsi %shift_right_arithmetic3A_53, %shift_right_arithmetic3A_63 : vector<16xi32>
        %and3A_65 = arith.constant 127 : i32
        %and3A_66 = vector.broadcast %and3A_65 : i32 to vector<16xi32>
        %and3A_67 = arith.andi %shift_right_arithmetic3A_53, %and3A_66 : vector<16xi32>
        %gather3A = tpu.vector_load_idx %arg6[%shift_right_arithmetic3A_64, %and3A_67] : memref<256x128xi32, #tpu.memory_space<vmem>>[vector<16xi32>, vector<16xi32>], vector<16xi32>,
        %scan3A_68 = arith.constant 0 : i32
        %scan3A_69 = arith.constant 91 : i32
        %scan3A_70 = arith.addi %scan3A_68, %scan3A_69 : i32
        %scan3A_71 = arith.constant 7 : i32
        %scan3A_72:2 = scf.for %scan3A_83 = %scan3A_68 to %scan3A_70 step %scan3A_71 iter_args(%scan3A_84 = %broadcast_in_dim3A_61, %scan3A_85 = %gather3A) -> (vector<16xi32>, vector<16xi32>)  : i32 {
          %add3A_86 = vector.broadcast %scan3A_83 : i32 to vector<16xi32>
          %add3A_87 = arith.addi %shift_right_arithmetic3A_53, %add3A_86 : vector<16xi32>
          %add3A_88 = arith.constant 1 : i32
          %add3A_89 = vector.broadcast %add3A_88 : i32 to vector<16xi32>
          %add3A_90 = arith.addi %add3A_87, %add3A_89 : vector<16xi32>
          %shift_right_arithmetic3A_91 = arith.constant 7 : i32
          %shift_right_arithmetic3A_92 = vector.broadcast %shift_right_arithmetic3A_91 : i32 to vector<16xi32>
          %shift_right_arithmetic3A_93 = arith.shrsi %add3A_90, %shift_right_arithmetic3A_92 : vector<16xi32>
          %and3A_94 = arith.constant 127 : i32
          %and3A_95 = vector.broadcast %and3A_94 : i32 to vector<16xi32>
          %and3A_96 = arith.andi %add3A_90, %and3A_95 : vector<16xi32>
          %gather3A_97 = tpu.vector_load_idx %arg6[%shift_right_arithmetic3A_93, %and3A_96] : memref<256x128xi32, #tpu.memory_space<vmem>>[vector<16xi32>, vector<16xi32>], vector<16xi32>,
          %shift_right_logical3A = arith.shrui %scan3A_85, %mul3A_58 : vector<16xi32>
          %shift_left3A = arith.shli %gather3A_97, %sub3A_60 : vector<16xi32>
          %shift_left3A_98 = arith.constant 1 : i32
          %shift_left3A_99 = vector.broadcast %shift_left3A_98 : i32 to vector<16xi32>
          %shift_left3A_100 = arith.shli %shift_left3A, %shift_left3A_99 : vector<16xi32>
          %or3A = arith.ori %shift_right_logical3A, %shift_left3A_100 : vector<16xi32>
          %mul3A_101 = arith.constant 2113665 : i32
          %mul3A_102 = vector.broadcast %mul3A_101 : i32 to vector<16xi32>
          %mul3A_103 = arith.muli %or3A, %mul3A_102 : vector<16xi32>
          %shift_right_logical3A_104 = arith.constant 21 : i32
          %shift_right_logical3A_105 = vector.broadcast %shift_right_logical3A_104 : i32 to vector<16xi32>
          %shift_right_logical3A_106 = arith.shrui %mul3A_103, %shift_right_logical3A_105 : vector<16xi32>
          %and3A_107 = arith.constant 15 : i32
          %and3A_108 = vector.broadcast %and3A_107 : i32 to vector<16xi32>
          %and3A_109 = arith.andi %shift_right_logical3A_106, %and3A_108 : vector<16xi32>
          %mul3A_110 = arith.constant 16 : i32
          %mul3A_111 = arith.muli %scan3A_83, %mul3A_110 : i32
          %add3A_112 = vector.broadcast %mul3A_111 : i32 to vector<16xi32>
          %add3A_113 = arith.addi %and3A_109, %add3A_112 : vector<16xi32>
          %gather3A_114 = tpu.vector_load_idx %arg10[%add3A_113] : memref<1536xi32, #tpu.memory_space<vmem>>[vector<16xi32>], vector<16xi32>,
          %xor3A_115 = arith.xori %scan3A_84, %gather3A_114 : vector<16xi32>
          %scan3A_116 = arith.constant 1 : i32
          %scan3A_117 = arith.addi %scan3A_83, %scan3A_116 : i32
          %add3A_118 = vector.broadcast %scan3A_117 : i32 to vector<16xi32>
          %add3A_119 = arith.addi %shift_right_arithmetic3A_53, %add3A_118 : vector<16xi32>
          %add3A_120 = arith.constant 1 : i32
          %add3A_121 = vector.broadcast %add3A_120 : i32 to vector<16xi32>
          %add3A_122 = arith.addi %add3A_119, %add3A_121 : vector<16xi32>
          %shift_right_arithmetic3A_123 = arith.constant 7 : i32
          %shift_right_arithmetic3A_124 = vector.broadcast %shift_right_arithmetic3A_123 : i32 to vector<16xi32>
          %shift_right_arithmetic3A_125 = arith.shrsi %add3A_122, %shift_right_arithmetic3A_124 : vector<16xi32>
          %and3A_126 = arith.constant 127 : i32
          %and3A_127 = vector.broadcast %and3A_126 : i32 to vector<16xi32>
          %and3A_128 = arith.andi %add3A_122, %and3A_127 : vector<16xi32>
          %gather3A_129 = tpu.vector_load_idx %arg6[%shift_right_arithmetic3A_125, %and3A_128] : memref<256x128xi32, #tpu.memory_space<vmem>>[vector<16xi32>, vector<16xi32>], vector<16xi32>,
          %shift_right_logical3A_130 = arith.shrui %gather3A_97, %mul3A_58 : vector<16xi32>
          %shift_left3A_131 = arith.shli %gather3A_129, %sub3A_60 : vector<16xi32>
          %shift_left3A_132 = arith.constant 1 : i32
          %shift_left3A_133 = vector.broadcast %shift_left3A_132 : i32 to vector<16xi32>
          %shift_left3A_134 = arith.shli %shift_left3A_131, %shift_left3A_133 : vector<16xi32>
          %or3A_135 = arith.ori %shift_right_logical3A_130, %shift_left3A_134 : vector<16xi32>
          %mul3A_136 = arith.constant 2113665 : i32
          %mul3A_137 = vector.broadcast %mul3A_136 : i32 to vector<16xi32>
          %mul3A_138 = arith.muli %or3A_135, %mul3A_137 : vector<16xi32>
          %shift_right_logical3A_139 = arith.constant 21 : i32
          %shift_right_logical3A_140 = vector.broadcast %shift_right_logical3A_139 : i32 to vector<16xi32>
          %shift_right_logical3A_141 = arith.shrui %mul3A_138, %shift_right_logical3A_140 : vector<16xi32>
          %and3A_142 = arith.constant 15 : i32
          %and3A_143 = vector.broadcast %and3A_142 : i32 to vector<16xi32>
          %and3A_144 = arith.andi %shift_right_logical3A_141, %and3A_143 : vector<16xi32>
          %mul3A_145 = arith.constant 16 : i32
          %mul3A_146 = arith.muli %scan3A_117, %mul3A_145 : i32
          %add3A_147 = vector.broadcast %mul3A_146 : i32 to vector<16xi32>
          %add3A_148 = arith.addi %and3A_144, %add3A_147 : vector<16xi32>
          %gather3A_149 = tpu.vector_load_idx %arg10[%add3A_148] : memref<1536xi32, #tpu.memory_space<vmem>>[vector<16xi32>], vector<16xi32>,
          %xor3A_150 = arith.xori %xor3A_115, %gather3A_149 : vector<16xi32>
          %scan3A_151 = arith.constant 2 : i32
          %scan3A_152 = arith.addi %scan3A_83, %scan3A_151 : i32
          %add3A_153 = vector.broadcast %scan3A_152 : i32 to vector<16xi32>
          %add3A_154 = arith.addi %shift_right_arithmetic3A_53, %add3A_153 : vector<16xi32>
          %add3A_155 = arith.constant 1 : i32
          %add3A_156 = vector.broadcast %add3A_155 : i32 to vector<16xi32>
          %add3A_157 = arith.addi %add3A_154, %add3A_156 : vector<16xi32>
          %shift_right_arithmetic3A_158 = arith.constant 7 : i32
          %shift_right_arithmetic3A_159 = vector.broadcast %shift_right_arithmetic3A_158 : i32 to vector<16xi32>
          %shift_right_arithmetic3A_160 = arith.shrsi %add3A_157, %shift_right_arithmetic3A_159 : vector<16xi32>
          %and3A_161 = arith.constant 127 : i32
          %and3A_162 = vector.broadcast %and3A_161 : i32 to vector<16xi32>
          %and3A_163 = arith.andi %add3A_157, %and3A_162 : vector<16xi32>
          %gather3A_164 = tpu.vector_load_idx %arg6[%shift_right_arithmetic3A_160, %and3A_163] : memref<256x128xi32, #tpu.memory_space<vmem>>[vector<16xi32>, vector<16xi32>], vector<16xi32>,
          %shift_right_logical3A_165 = arith.shrui %gather3A_129, %mul3A_58 : vector<16xi32>
          %shift_left3A_166 = arith.shli %gather3A_164, %sub3A_60 : vector<16xi32>
          %shift_left3A_167 = arith.constant 1 : i32
          %shift_left3A_168 = vector.broadcast %shift_left3A_167 : i32 to vector<16xi32>
          %shift_left3A_169 = arith.shli %shift_left3A_166, %shift_left3A_168 : vector<16xi32>
          %or3A_170 = arith.ori %shift_right_logical3A_165, %shift_left3A_169 : vector<16xi32>
          %mul3A_171 = arith.constant 2113665 : i32
          %mul3A_172 = vector.broadcast %mul3A_171 : i32 to vector<16xi32>
          %mul3A_173 = arith.muli %or3A_170, %mul3A_172 : vector<16xi32>
          %shift_right_logical3A_174 = arith.constant 21 : i32
          %shift_right_logical3A_175 = vector.broadcast %shift_right_logical3A_174 : i32 to vector<16xi32>
          %shift_right_logical3A_176 = arith.shrui %mul3A_173, %shift_right_logical3A_175 : vector<16xi32>
          %and3A_177 = arith.constant 15 : i32
          %and3A_178 = vector.broadcast %and3A_177 : i32 to vector<16xi32>
          %and3A_179 = arith.andi %shift_right_logical3A_176, %and3A_178 : vector<16xi32>
          %mul3A_180 = arith.constant 16 : i32
          %mul3A_181 = arith.muli %scan3A_152, %mul3A_180 : i32
          %add3A_182 = vector.broadcast %mul3A_181 : i32 to vector<16xi32>
          %add3A_183 = arith.addi %and3A_179, %add3A_182 : vector<16xi32>
          %gather3A_184 = tpu.vector_load_idx %arg10[%add3A_183] : memref<1536xi32, #tpu.memory_space<vmem>>[vector<16xi32>], vector<16xi32>,
          %xor3A_185 = arith.xori %xor3A_150, %gather3A_184 : vector<16xi32>
          %scan3A_186 = arith.constant 3 : i32
          %scan3A_187 = arith.addi %scan3A_83, %scan3A_186 : i32
          %add3A_188 = vector.broadcast %scan3A_187 : i32 to vector<16xi32>
          %add3A_189 = arith.addi %shift_right_arithmetic3A_53, %add3A_188 : vector<16xi32>
          %add3A_190 = arith.constant 1 : i32
          %add3A_191 = vector.broadcast %add3A_190 : i32 to vector<16xi32>
          %add3A_192 = arith.addi %add3A_189, %add3A_191 : vector<16xi32>
          %shift_right_arithmetic3A_193 = arith.constant 7 : i32
          %shift_right_arithmetic3A_194 = vector.broadcast %shift_right_arithmetic3A_193 : i32 to vector<16xi32>
          %shift_right_arithmetic3A_195 = arith.shrsi %add3A_192, %shift_right_arithmetic3A_194 : vector<16xi32>
          %and3A_196 = arith.constant 127 : i32
          %and3A_197 = vector.broadcast %and3A_196 : i32 to vector<16xi32>
          %and3A_198 = arith.andi %add3A_192, %and3A_197 : vector<16xi32>
          %gather3A_199 = tpu.vector_load_idx %arg6[%shift_right_arithmetic3A_195, %and3A_198] : memref<256x128xi32, #tpu.memory_space<vmem>>[vector<16xi32>, vector<16xi32>], vector<16xi32>,
          %shift_right_logical3A_200 = arith.shrui %gather3A_164, %mul3A_58 : vector<16xi32>
          %shift_left3A_201 = arith.shli %gather3A_199, %sub3A_60 : vector<16xi32>
          %shift_left3A_202 = arith.constant 1 : i32
          %shift_left3A_203 = vector.broadcast %shift_left3A_202 : i32 to vector<16xi32>
          %shift_left3A_204 = arith.shli %shift_left3A_201, %shift_left3A_203 : vector<16xi32>
          %or3A_205 = arith.ori %shift_right_logical3A_200, %shift_left3A_204 : vector<16xi32>
          %mul3A_206 = arith.constant 2113665 : i32
          %mul3A_207 = vector.broadcast %mul3A_206 : i32 to vector<16xi32>
          %mul3A_208 = arith.muli %or3A_205, %mul3A_207 : vector<16xi32>
          %shift_right_logical3A_209 = arith.constant 21 : i32
          %shift_right_logical3A_210 = vector.broadcast %shift_right_logical3A_209 : i32 to vector<16xi32>
          %shift_right_logical3A_211 = arith.shrui %mul3A_208, %shift_right_logical3A_210 : vector<16xi32>
          %and3A_212 = arith.constant 15 : i32
          %and3A_213 = vector.broadcast %and3A_212 : i32 to vector<16xi32>
          %and3A_214 = arith.andi %shift_right_logical3A_211, %and3A_213 : vector<16xi32>
          %mul3A_215 = arith.constant 16 : i32
          %mul3A_216 = arith.muli %scan3A_187, %mul3A_215 : i32
          %add3A_217 = vector.broadcast %mul3A_216 : i32 to vector<16xi32>
          %add3A_218 = arith.addi %and3A_214, %add3A_217 : vector<16xi32>
          %gather3A_219 = tpu.vector_load_idx %arg10[%add3A_218] : memref<1536xi32, #tpu.memory_space<vmem>>[vector<16xi32>], vector<16xi32>,
          %xor3A_220 = arith.xori %xor3A_185, %gather3A_219 : vector<16xi32>
          %scan3A_221 = arith.constant 4 : i32
          %scan3A_222 = arith.addi %scan3A_83, %scan3A_221 : i32
          %add3A_223 = vector.broadcast %scan3A_222 : i32 to vector<16xi32>
          %add3A_224 = arith.addi %shift_right_arithmetic3A_53, %add3A_223 : vector<16xi32>
          %add3A_225 = arith.constant 1 : i32
          %add3A_226 = vector.broadcast %add3A_225 : i32 to vector<16xi32>
          %add3A_227 = arith.addi %add3A_224, %add3A_226 : vector<16xi32>
          %shift_right_arithmetic3A_228 = arith.constant 7 : i32
          %shift_right_arithmetic3A_229 = vector.broadcast %shift_right_arithmetic3A_228 : i32 to vector<16xi32>
          %shift_right_arithmetic3A_230 = arith.shrsi %add3A_227, %shift_right_arithmetic3A_229 : vector<16xi32>
          %and3A_231 = arith.constant 127 : i32
          %and3A_232 = vector.broadcast %and3A_231 : i32 to vector<16xi32>
          %and3A_233 = arith.andi %add3A_227, %and3A_232 : vector<16xi32>
          %gather3A_234 = tpu.vector_load_idx %arg6[%shift_right_arithmetic3A_230, %and3A_233] : memref<256x128xi32, #tpu.memory_space<vmem>>[vector<16xi32>, vector<16xi32>], vector<16xi32>,
          %shift_right_logical3A_235 = arith.shrui %gather3A_199, %mul3A_58 : vector<16xi32>
          %shift_left3A_236 = arith.shli %gather3A_234, %sub3A_60 : vector<16xi32>
          %shift_left3A_237 = arith.constant 1 : i32
          %shift_left3A_238 = vector.broadcast %shift_left3A_237 : i32 to vector<16xi32>
          %shift_left3A_239 = arith.shli %shift_left3A_236, %shift_left3A_238 : vector<16xi32>
          %or3A_240 = arith.ori %shift_right_logical3A_235, %shift_left3A_239 : vector<16xi32>
          %mul3A_241 = arith.constant 2113665 : i32
          %mul3A_242 = vector.broadcast %mul3A_241 : i32 to vector<16xi32>
          %mul3A_243 = arith.muli %or3A_240, %mul3A_242 : vector<16xi32>
          %shift_right_logical3A_244 = arith.constant 21 : i32
          %shift_right_logical3A_245 = vector.broadcast %shift_right_logical3A_244 : i32 to vector<16xi32>
          %shift_right_logical3A_246 = arith.shrui %mul3A_243, %shift_right_logical3A_245 : vector<16xi32>
          %and3A_247 = arith.constant 15 : i32
          %and3A_248 = vector.broadcast %and3A_247 : i32 to vector<16xi32>
          %and3A_249 = arith.andi %shift_right_logical3A_246, %and3A_248 : vector<16xi32>
          %mul3A_250 = arith.constant 16 : i32
          %mul3A_251 = arith.muli %scan3A_222, %mul3A_250 : i32
          %add3A_252 = vector.broadcast %mul3A_251 : i32 to vector<16xi32>
          %add3A_253 = arith.addi %and3A_249, %add3A_252 : vector<16xi32>
          %gather3A_254 = tpu.vector_load_idx %arg10[%add3A_253] : memref<1536xi32, #tpu.memory_space<vmem>>[vector<16xi32>], vector<16xi32>,
          %xor3A_255 = arith.xori %xor3A_220, %gather3A_254 : vector<16xi32>
          %scan3A_256 = arith.constant 5 : i32
          %scan3A_257 = arith.addi %scan3A_83, %scan3A_256 : i32
          %add3A_258 = vector.broadcast %scan3A_257 : i32 to vector<16xi32>
          %add3A_259 = arith.addi %shift_right_arithmetic3A_53, %add3A_258 : vector<16xi32>
          %add3A_260 = arith.constant 1 : i32
          %add3A_261 = vector.broadcast %add3A_260 : i32 to vector<16xi32>
          %add3A_262 = arith.addi %add3A_259, %add3A_261 : vector<16xi32>
          %shift_right_arithmetic3A_263 = arith.constant 7 : i32
          %shift_right_arithmetic3A_264 = vector.broadcast %shift_right_arithmetic3A_263 : i32 to vector<16xi32>
          %shift_right_arithmetic3A_265 = arith.shrsi %add3A_262, %shift_right_arithmetic3A_264 : vector<16xi32>
          %and3A_266 = arith.constant 127 : i32
          %and3A_267 = vector.broadcast %and3A_266 : i32 to vector<16xi32>
          %and3A_268 = arith.andi %add3A_262, %and3A_267 : vector<16xi32>
          %gather3A_269 = tpu.vector_load_idx %arg6[%shift_right_arithmetic3A_265, %and3A_268] : memref<256x128xi32, #tpu.memory_space<vmem>>[vector<16xi32>, vector<16xi32>], vector<16xi32>,
          %shift_right_logical3A_270 = arith.shrui %gather3A_234, %mul3A_58 : vector<16xi32>
          %shift_left3A_271 = arith.shli %gather3A_269, %sub3A_60 : vector<16xi32>
          %shift_left3A_272 = arith.constant 1 : i32
          %shift_left3A_273 = vector.broadcast %shift_left3A_272 : i32 to vector<16xi32>
          %shift_left3A_274 = arith.shli %shift_left3A_271, %shift_left3A_273 : vector<16xi32>
          %or3A_275 = arith.ori %shift_right_logical3A_270, %shift_left3A_274 : vector<16xi32>
          %mul3A_276 = arith.constant 2113665 : i32
          %mul3A_277 = vector.broadcast %mul3A_276 : i32 to vector<16xi32>
          %mul3A_278 = arith.muli %or3A_275, %mul3A_277 : vector<16xi32>
          %shift_right_logical3A_279 = arith.constant 21 : i32
          %shift_right_logical3A_280 = vector.broadcast %shift_right_logical3A_279 : i32 to vector<16xi32>
          %shift_right_logical3A_281 = arith.shrui %mul3A_278, %shift_right_logical3A_280 : vector<16xi32>
          %and3A_282 = arith.constant 15 : i32
          %and3A_283 = vector.broadcast %and3A_282 : i32 to vector<16xi32>
          %and3A_284 = arith.andi %shift_right_logical3A_281, %and3A_283 : vector<16xi32>
          %mul3A_285 = arith.constant 16 : i32
          %mul3A_286 = arith.muli %scan3A_257, %mul3A_285 : i32
          %add3A_287 = vector.broadcast %mul3A_286 : i32 to vector<16xi32>
          %add3A_288 = arith.addi %and3A_284, %add3A_287 : vector<16xi32>
          %gather3A_289 = tpu.vector_load_idx %arg10[%add3A_288] : memref<1536xi32, #tpu.memory_space<vmem>>[vector<16xi32>], vector<16xi32>,
          %xor3A_290 = arith.xori %xor3A_255, %gather3A_289 : vector<16xi32>
          %scan3A_291 = arith.constant 6 : i32
          %scan3A_292 = arith.addi %scan3A_83, %scan3A_291 : i32
          %add3A_293 = vector.broadcast %scan3A_292 : i32 to vector<16xi32>
          %add3A_294 = arith.addi %shift_right_arithmetic3A_53, %add3A_293 : vector<16xi32>
          %add3A_295 = arith.constant 1 : i32
          %add3A_296 = vector.broadcast %add3A_295 : i32 to vector<16xi32>
          %add3A_297 = arith.addi %add3A_294, %add3A_296 : vector<16xi32>
          %shift_right_arithmetic3A_298 = arith.constant 7 : i32
          %shift_right_arithmetic3A_299 = vector.broadcast %shift_right_arithmetic3A_298 : i32 to vector<16xi32>
          %shift_right_arithmetic3A_300 = arith.shrsi %add3A_297, %shift_right_arithmetic3A_299 : vector<16xi32>
          %and3A_301 = arith.constant 127 : i32
          %and3A_302 = vector.broadcast %and3A_301 : i32 to vector<16xi32>
          %and3A_303 = arith.andi %add3A_297, %and3A_302 : vector<16xi32>
          %gather3A_304 = tpu.vector_load_idx %arg6[%shift_right_arithmetic3A_300, %and3A_303] : memref<256x128xi32, #tpu.memory_space<vmem>>[vector<16xi32>, vector<16xi32>], vector<16xi32>,
          %shift_right_logical3A_305 = arith.shrui %gather3A_269, %mul3A_58 : vector<16xi32>
          %shift_left3A_306 = arith.shli %gather3A_304, %sub3A_60 : vector<16xi32>
          %shift_left3A_307 = arith.constant 1 : i32
          %shift_left3A_308 = vector.broadcast %shift_left3A_307 : i32 to vector<16xi32>
          %shift_left3A_309 = arith.shli %shift_left3A_306, %shift_left3A_308 : vector<16xi32>
          %or3A_310 = arith.ori %shift_right_logical3A_305, %shift_left3A_309 : vector<16xi32>
          %mul3A_311 = arith.constant 2113665 : i32
          %mul3A_312 = vector.broadcast %mul3A_311 : i32 to vector<16xi32>
          %mul3A_313 = arith.muli %or3A_310, %mul3A_312 : vector<16xi32>
          %shift_right_logical3A_314 = arith.constant 21 : i32
          %shift_right_logical3A_315 = vector.broadcast %shift_right_logical3A_314 : i32 to vector<16xi32>
          %shift_right_logical3A_316 = arith.shrui %mul3A_313, %shift_right_logical3A_315 : vector<16xi32>
          %and3A_317 = arith.constant 15 : i32
          %and3A_318 = vector.broadcast %and3A_317 : i32 to vector<16xi32>
          %and3A_319 = arith.andi %shift_right_logical3A_316, %and3A_318 : vector<16xi32>
          %mul3A_320 = arith.constant 16 : i32
          %mul3A_321 = arith.muli %scan3A_292, %mul3A_320 : i32
          %add3A_322 = vector.broadcast %mul3A_321 : i32 to vector<16xi32>
          %add3A_323 = arith.addi %and3A_319, %add3A_322 : vector<16xi32>
          %gather3A_324 = tpu.vector_load_idx %arg10[%add3A_323] : memref<1536xi32, #tpu.memory_space<vmem>>[vector<16xi32>], vector<16xi32>,
          %xor3A_325 = arith.xori %xor3A_290, %gather3A_324 : vector<16xi32>
          scf.yield %xor3A_325, %gather3A_304 : vector<16xi32>, vector<16xi32>
        }
        %scan3A_73 = arith.constant 91 : i32
        %mul3A_74 = arith.constant 16 : i32
        %mul3A_75 = arith.muli %scan3A_41, %mul3A_74 : i32
        %get3A_76 = arith.index_cast %mul3A_75 : i32 to index
        %get3A_77 = tpu.vector_load %arg8[%get3A_76] {strides = array<i32>} : memref<384xi32, #tpu.memory_space<vmem>>, vector<16xi32>,
        %xor3A = arith.xori %get3A_16, %get3A_77 : vector<16xi32>
        %xor3A_78 = arith.xori %xor3A, %scan3A_72#0 : vector<16xi32>
        %mul3A_79 = arith.constant 16 : i32
        %mul3A_80 = arith.muli %scan3A_41, %mul3A_79 : i32
        %swap3A = arith.index_cast %mul3A_80 : i32 to index
        %swap3A_81 = tpu.vector_load %arg12[%swap3A] {strides = array<i32>} : memref<368xi32, #tpu.memory_space<vmem>>, vector<16xi32>,
        tpu.vector_store %arg12[%swap3A], %xor3A_78 {strides = array<i32>} : memref<368xi32, #tpu.memory_space<vmem>>, vector<16xi32>,
        %scan3A_82 = arith.constant 0 : i32
        scf.yield %scan3A_82 : i32
      }
      %scan3A_39 = arith.constant 23 : i32
      "tpu.region"() ({
        %run_scoped3A = tpu.sem_alloc : memref<!tpu.dma_semaphore, #tpu.memory_space<semaphore_mem>>
        %dma_start3A = arith.constant 0 : i32
        %dma_start3A_41 = tpu.memref_slice %arg5[%add3A_11, %dma_start3A] : memref<64x368xi32, #tpu.memory_space<hbm>> -> memref<1x368xi32, #tpu.memory_space<hbm>>
        %dma_start3A_42 = tpu.memref_squeeze %dma_start3A_41 : memref<1x368xi32, #tpu.memory_space<hbm>> -> memref<368xi32, #tpu.memory_space<hbm>>
        %dma_start3A_43 = arith.constant 0 : i32
        %dma_start3A_44 = tpu.memref_slice %arg5[%add3A_11, %dma_start3A_43] : memref<64x368xi32, #tpu.memory_space<hbm>> -> memref<1x368xi32, #tpu.memory_space<hbm>>
        %dma_start3A_45 = tpu.memref_squeeze %dma_start3A_44 : memref<1x368xi32, #tpu.memory_space<hbm>> -> memref<368xi32, #tpu.memory_space<hbm>>
        tpu.enqueue_dma source(%arg12 : memref<368xi32, #tpu.memory_space<vmem>>) target(%dma_start3A_45 : memref<368xi32, #tpu.memory_space<hbm>>) target_semaphore(%run_scoped3A : memref<!tpu.dma_semaphore, #tpu.memory_space<semaphore_mem>>)
        %dma_wait3A = arith.constant 0 : i32
        %dma_wait3A_46 = tpu.memref_slice %arg5[%add3A_11, %dma_wait3A] : memref<64x368xi32, #tpu.memory_space<hbm>> -> memref<1x368xi32, #tpu.memory_space<hbm>>
        %dma_wait3A_47 = tpu.memref_squeeze %dma_wait3A_46 : memref<1x368xi32, #tpu.memory_space<hbm>> -> memref<368xi32, #tpu.memory_space<hbm>>
        %dma_wait3A_48 = arith.constant 0 : i32
        %dma_wait3A_49 = tpu.memref_slice %arg5[%add3A_11, %dma_wait3A_48] : memref<64x368xi32, #tpu.memory_space<hbm>> -> memref<1x368xi32, #tpu.memory_space<hbm>>
        %dma_wait3A_50 = tpu.memref_squeeze %dma_wait3A_49 : memref<1x368xi32, #tpu.memory_space<hbm>> -> memref<368xi32, #tpu.memory_space<hbm>>
        tpu.wait_dma2 semaphore(%run_scoped3A : memref<!tpu.dma_semaphore, #tpu.memory_space<semaphore_mem>>) src(%arg12 : memref<368xi32, #tpu.memory_space<vmem>>) dst(%dma_wait3A_50 : memref<368xi32, #tpu.memory_space<hbm>>)
        tpu.yield
      }) : () -> ()
      %scan3A_40 = arith.constant 0 : i32
      scf.yield %scan3A_40 : i32
    }
    %scan3A_6 = arith.constant 2 : i32
    return
  }
}

module attributes {stable_mosaic.version = 14 : i64} {
  func.func @_tc_body(%arg0: i32, %arg1: memref<1x1x368xi32, #tpu.memory_space<vmem>>, %arg2: memref<1x3712x1xi32, #tpu.memory_space<vmem>>, %arg3: memref<64x1xi32, #tpu.memory_space<smem>>, %arg4: memref<1x1x368xi32, #tpu.memory_space<vmem>>, %arg5: memref<1x1x368xi32, #tpu.memory_space<vmem>>) attributes {dimension_semantics = [#tpu.dimension_semantics<arbitrary>], iteration_bounds = array<i64: 64>, scalar_prefetch = 0 : i64, scratch_operands = 0 : i64, tpu.core_type = #tpu.core_type<tc>, window_params = [{transform_indices = @transform_0, window_bounds = array<i64: 1, 1, 368>}, {transform_indices = @transform_1, window_bounds = array<i64: 1, 3712, 1>}, {transform_indices = @transform_2, window_bounds = array<i64: 64, 1>}, {transform_indices = @transform_3, window_bounds = array<i64: 1, 1, 368>}, {transform_indices = @transform_4, window_bounds = array<i64: 1, 1, 368>}]} {
    %get3A = arith.index_cast %arg0 : i32 to index
    %get3A_0 = arith.constant 0 : index
    %get3A_1 = memref.load %arg3[%get3A, %get3A_0] : memref<64x1xi32, #tpu.memory_space<smem>>
    %get3A_2 = arith.constant 0 : index
    %get3A_3 = arith.constant 0 : index
    %get3A_4 = arith.constant 0 : index
    %get3A_5 = vector.load %arg1[%get3A_2, %get3A_3, %get3A_4] : memref<1x1x368xi32, #tpu.memory_space<vmem>>, vector<1x1x368xi32>
    %get3A_6 = vector.shape_cast %get3A_5 : vector<1x1x368xi32> to vector<1x368xi32>
    %add3A = arith.constant 231 : i32
    %add3A_7 = arith.addi %get3A_1, %add3A : i32
    %jit3A = arith.constant 232 : i32
    %div3A = arith.divsi %add3A_7, %jit3A : i32
    %sign3A = arith.constant 0 : i32
    %sign3A_8 = arith.cmpi sgt, %add3A_7, %sign3A : i32
    %sign3A_9 = arith.extui %sign3A_8 : i1 to i32
    %sign3A_10 = arith.constant 0 : i32
    %sign3A_11 = arith.cmpi slt, %add3A_7, %sign3A_10 : i32
    %sign3A_12 = arith.extui %sign3A_11 : i1 to i32
    %sign3A_13 = arith.subi %sign3A_9, %sign3A_12 : i32
    %sign3A_14 = arith.constant 0 : i32
    %sign3A_15 = arith.cmpi sgt, %jit3A, %sign3A_14 : i32
    %sign3A_16 = arith.extui %sign3A_15 : i1 to i32
    %sign3A_17 = arith.constant 0 : i32
    %sign3A_18 = arith.cmpi slt, %jit3A, %sign3A_17 : i32
    %sign3A_19 = arith.extui %sign3A_18 : i1 to i32
    %sign3A_20 = arith.subi %sign3A_16, %sign3A_19 : i32
    %ne3A = arith.cmpi ne, %sign3A_13, %sign3A_20 : i32
    %rem3A = arith.remsi %add3A_7, %jit3A : i32
    %ne3A_21 = arith.constant 0 : i32
    %ne3A_22 = arith.cmpi ne, %rem3A, %ne3A_21 : i32
    %and3A = arith.andi %ne3A, %ne3A_22 : i1
    %sub3A = arith.constant 1 : i32
    %sub3A_23 = arith.subi %div3A, %sub3A : i32
    %select_n3A = arith.select %and3A, %sub3A_23, %div3A : i32
    %broadcast_in_dim3A = arith.constant 0 : i32
    %broadcast_in_dim3A_24 = vector.broadcast %broadcast_in_dim3A : i32 to vector<1x368xi32>
    %while3A = arith.constant 0 : i32
    %while3A_25 = arith.subi %select_n3A, %while3A : i32
    %while3A_26 = arith.addi %while3A, %while3A_25 : i32
    %while3A_27 = arith.constant 1 : i32
    %while3A_28 = arith.divsi %while3A_25, %while3A_27 : i32
    %while3A_29 = arith.muli %while3A_28, %while3A_27 : i32
    %while3A_30 = arith.addi %while3A, %while3A_29 : i32
    %while3A_31 = arith.constant 1 : i32
    %while3A_32 = scf.for %while3A_49 = %while3A to %while3A_30 step %while3A_31 iter_args(%while3A_50 = %broadcast_in_dim3A_24) -> (vector<1x368xi32>)  : i32 {
      %mul3A = arith.constant 232 : i32
      %mul3A_51 = arith.muli %while3A_49, %mul3A : i32
      %get3A_52 = arith.constant 0 : index
      %get3A_53 = arith.index_cast %mul3A_51 : i32 to index
      %get3A_54 = arith.constant 0 : index
      %get3A_55 = vector.load %arg2[%get3A_52, %get3A_53, %get3A_54] : memref<1x3712x1xi32, #tpu.memory_space<vmem>>, vector<1x232x1xi32>
      %get3A_56 = vector.shape_cast %get3A_55 : vector<1x232x1xi32> to vector<232x1xi32>
      %iota3A = tpu.iota {dimensions = array<i32: 0>} : vector<232x1xi32>
      %mul3A_57 = arith.constant 232 : i32
      %mul3A_58 = arith.muli %while3A_49, %mul3A_57 : i32
      %add3A_59 = vector.broadcast %mul3A_58 : i32 to vector<232x1xi32>
      %add3A_60 = arith.addi %iota3A, %add3A_59 : vector<232x1xi32>
      %lt3A = vector.broadcast %get3A_1 : i32 to vector<232x1xi32>
      %lt3A_61 = arith.cmpi slt, %add3A_60, %lt3A : vector<232x1xi32>
      %jit3A_62 = arith.constant -1 : i32
      %broadcast_in_dim3A_63 = vector.broadcast %jit3A_62 : i32 to vector<232x1xi32>
      %select_n3A_64 = arith.select %lt3A_61, %get3A_56, %broadcast_in_dim3A_63 : vector<232x1xi1>, vector<232x1xi32>
      %eq3A = vector.broadcast %select_n3A_64 : vector<232x1xi32> to vector<232x368xi32>
      %eq3A_65 = vector.broadcast %get3A_6 : vector<1x368xi32> to vector<232x368xi32>
      %eq3A_66 = arith.cmpi eq, %eq3A, %eq3A_65 : vector<232x368xi32>
      %reduce_or3A = arith.constant 1.000000e+00 : f32
      %reduce_or3A_67 = arith.constant 0.000000e+00 : f32
      %reduce_or3A_68 = vector.broadcast %reduce_or3A : f32 to vector<232x368xf32>
      %reduce_or3A_69 = vector.broadcast %reduce_or3A_67 : f32 to vector<232x368xf32>
      %reduce_or3A_70 = arith.select %eq3A_66, %reduce_or3A_68, %reduce_or3A_69 : vector<232x368xi1>, vector<232x368xf32>
      %reduce_or3A_71 = arith.constant dense<0xFF800000> : vector<368xf32>
      %reduce_or3A_72 = vector.multi_reduction <maximumf>, %reduce_or3A_70, %reduce_or3A_71 [0] : vector<232x368xf32> to vector<368xf32>
      %reduce_or3A_73 = arith.constant 0.000000e+00 : f32
      %reduce_or3A_74 = vector.broadcast %reduce_or3A_73 : f32 to vector<368xf32>
      %reduce_or3A_75 = arith.cmpf ogt, %reduce_or3A_72, %reduce_or3A_74 : vector<368xf32>
      %broadcast_in_dim3A_76 = vector.shape_cast %reduce_or3A_75 : vector<368xi1> to vector<1x368xi1>
      %convert_element_type3A = arith.extui %broadcast_in_dim3A_76 : vector<1x368xi1> to vector<1x368xi32>
      %or3A = arith.ori %while3A_50, %convert_element_type3A : vector<1x368xi32>
      scf.yield %or3A : vector<1x368xi32>
    }
    %while3A_33 = arith.constant 1 : i32
    %while3A_34 = scf.for %while3A_49 = %while3A_30 to %while3A_26 step %while3A_33 iter_args(%while3A_50 = %while3A_32) -> (vector<1x368xi32>)  : i32 {
      %mul3A = arith.constant 232 : i32
      %mul3A_51 = arith.muli %while3A_49, %mul3A : i32
      %get3A_52 = arith.constant 0 : index
      %get3A_53 = arith.index_cast %mul3A_51 : i32 to index
      %get3A_54 = arith.constant 0 : index
      %get3A_55 = vector.load %arg2[%get3A_52, %get3A_53, %get3A_54] : memref<1x3712x1xi32, #tpu.memory_space<vmem>>, vector<1x232x1xi32>
      %get3A_56 = vector.shape_cast %get3A_55 : vector<1x232x1xi32> to vector<232x1xi32>
      %iota3A = tpu.iota {dimensions = array<i32: 0>} : vector<232x1xi32>
      %mul3A_57 = arith.constant 232 : i32
      %mul3A_58 = arith.muli %while3A_49, %mul3A_57 : i32
      %add3A_59 = vector.broadcast %mul3A_58 : i32 to vector<232x1xi32>
      %add3A_60 = arith.addi %iota3A, %add3A_59 : vector<232x1xi32>
      %lt3A = vector.broadcast %get3A_1 : i32 to vector<232x1xi32>
      %lt3A_61 = arith.cmpi slt, %add3A_60, %lt3A : vector<232x1xi32>
      %jit3A_62 = arith.constant -1 : i32
      %broadcast_in_dim3A_63 = vector.broadcast %jit3A_62 : i32 to vector<232x1xi32>
      %select_n3A_64 = arith.select %lt3A_61, %get3A_56, %broadcast_in_dim3A_63 : vector<232x1xi1>, vector<232x1xi32>
      %eq3A = vector.broadcast %select_n3A_64 : vector<232x1xi32> to vector<232x368xi32>
      %eq3A_65 = vector.broadcast %get3A_6 : vector<1x368xi32> to vector<232x368xi32>
      %eq3A_66 = arith.cmpi eq, %eq3A, %eq3A_65 : vector<232x368xi32>
      %reduce_or3A = arith.constant 1.000000e+00 : f32
      %reduce_or3A_67 = arith.constant 0.000000e+00 : f32
      %reduce_or3A_68 = vector.broadcast %reduce_or3A : f32 to vector<232x368xf32>
      %reduce_or3A_69 = vector.broadcast %reduce_or3A_67 : f32 to vector<232x368xf32>
      %reduce_or3A_70 = arith.select %eq3A_66, %reduce_or3A_68, %reduce_or3A_69 : vector<232x368xi1>, vector<232x368xf32>
      %reduce_or3A_71 = arith.constant dense<0xFF800000> : vector<368xf32>
      %reduce_or3A_72 = vector.multi_reduction <maximumf>, %reduce_or3A_70, %reduce_or3A_71 [0] : vector<232x368xf32> to vector<368xf32>
      %reduce_or3A_73 = arith.constant 0.000000e+00 : f32
      %reduce_or3A_74 = vector.broadcast %reduce_or3A_73 : f32 to vector<368xf32>
      %reduce_or3A_75 = arith.cmpf ogt, %reduce_or3A_72, %reduce_or3A_74 : vector<368xf32>
      %broadcast_in_dim3A_76 = vector.shape_cast %reduce_or3A_75 : vector<368xi1> to vector<1x368xi1>
      %convert_element_type3A = arith.extui %broadcast_in_dim3A_76 : vector<1x368xi1> to vector<1x368xi32>
      %or3A = arith.ori %while3A_50, %convert_element_type3A : vector<1x368xi32>
      scf.yield %or3A : vector<1x368xi32>
    }
    %get3A_35 = arith.constant 0 : index
    %get3A_36 = arith.constant 0 : index
    %get3A_37 = arith.constant 0 : index
    %get3A_38 = vector.load %arg4[%get3A_35, %get3A_36, %get3A_37] : memref<1x1x368xi32, #tpu.memory_space<vmem>>, vector<1x1x368xi32>
    %get3A_39 = vector.shape_cast %get3A_38 : vector<1x1x368xi32> to vector<1x368xi32>
    %sub3A_40 = arith.constant 1 : i32
    %sub3A_41 = vector.broadcast %sub3A_40 : i32 to vector<1x368xi32>
    %sub3A_42 = arith.subi %sub3A_41, %while3A_34 : vector<1x368xi32>
    %and3A_43 = arith.andi %get3A_39, %sub3A_42 : vector<1x368xi32>
    %swap3A = arith.constant 0 : index
    %swap3A_44 = arith.constant 0 : index
    %swap3A_45 = arith.constant 0 : index
    %swap3A_46 = vector.load %arg5[%swap3A, %swap3A_44, %swap3A_45] : memref<1x1x368xi32, #tpu.memory_space<vmem>>, vector<1x1x368xi32>
    %swap3A_47 = vector.shape_cast %swap3A_46 : vector<1x1x368xi32> to vector<1x368xi32>
    %swap3A_48 = vector.shape_cast %and3A_43 : vector<1x368xi32> to vector<1x1x368xi32>
    tpu.vector_store %arg5[%swap3A, %swap3A_44, %swap3A_45], %swap3A_48 {strides = array<i32>} : memref<1x1x368xi32, #tpu.memory_space<vmem>>, vector<1x1x368xi32>,
    return
  }
  func.func @transform_0(%arg0: i32) -> (i32, i32, i32) {
    %c0_i32 = arith.constant 0 : i32
    %c0_i32_0 = arith.constant 0 : i32
    %c0_i32_1 = arith.constant 0 : i32
    return %arg0, %c0_i32, %c0_i32_0 : i32, i32, i32
  }
  func.func @transform_1(%arg0: i32) -> (i32, i32, i32) {
    %c0_i32 = arith.constant 0 : i32
    %c0_i32_0 = arith.constant 0 : i32
    %c0_i32_1 = arith.constant 0 : i32
    return %arg0, %c0_i32, %c0_i32_0 : i32, i32, i32
  }
  func.func @transform_2(%arg0: i32) -> (i32, i32) {
    %c0_i32 = arith.constant 0 : i32
    %c0_i32_0 = arith.constant 0 : i32
    %c0_i32_1 = arith.constant 0 : i32
    return %c0_i32, %c0_i32_0 : i32, i32
  }
  func.func @transform_3(%arg0: i32) -> (i32, i32, i32) {
    %c0_i32 = arith.constant 0 : i32
    %c0_i32_0 = arith.constant 0 : i32
    %c0_i32_1 = arith.constant 0 : i32
    return %arg0, %c0_i32, %c0_i32_0 : i32, i32, i32
  }
  func.func @transform_4(%arg0: i32) -> (i32, i32, i32) {
    %c0_i32 = arith.constant 0 : i32
    %c0_i32_0 = arith.constant 0 : i32
    %c0_i32_1 = arith.constant 0 : i32
    return %arg0, %c0_i32, %c0_i32_0 : i32, i32, i32
  }
}

</mosaic_0001>

<sc_bundles>
// kernel: kernel.4.cloned.1.call-start
scs
__scs_entry_jumppad:
0x0: {  	(pc) =	sbr.rel $0x88, $3  }
0x1: {  	(tag) =	ssettag $0x0;
	lr =	simm.s32 $0x1  }
0x2: {  	[smem:$0x3F9A] =	sst lr;
	_ =	strace $0xD0000000  }
0x3: {  	_ = 	snop  }
0x4: {  	_ = 	snop  }
0x5: {  	_ = 	snop  }
0x6: {  	_ = 	snop  }
0x7: {  	_ = 	snop  }
__scs_overlays_trampoline_lowered:
0x8: {  	[smem:$0x3FA9] =	sst s0  }
0x9: {  	[smem:$0x3FAA] =	sst s1  }
0xa: {  	[smem:$0x3FAB] =	sst s2  }
0xb: {  	[smem:$0x3FAC] =	sst s3  }
0xc: {  	[smem:$0x3FAD] =	sst s4  }
0xd: {  	[smem:$0x3FAE] =	sst s5  }
0xe: {  	[smem:$0x3FAF] =	sst s6  }
0xf: {  	[smem:$0x3FB0] =	sst s7  }
0x10: {  	[smem:$0x3FB1] =	sst s8  }
0x11: {  	[smem:$0x3FB2] =	sst s9;
	s0 =	simm.s32 @!p0 $0x0  }
0x12: {  	s1 =	sld [smem:$0x3F98];
	s0 =	simm.s32 @p0 $0x1  }
0x13: {  	[smem:$0x3FB3] =	sst s0;
	s0 =	simm.s32 @!p1 $0x0  }
0x14: {  	s2 =	sld [smem:$0x3F97];
	s0 =	simm.s32 @p1 $0x1  }
0x15: {  	[smem:$0x3FB4] =	sst s0;
	s0 =	simm.s32 @!p2 $0x0  }
0x16: {  	s3 =	sld [smem:$0x3FDB];
	s0 =	simm.s32 @p2 $0x1  }
0x17: {  	s4 =	simm.s32 $0x1BF5;
	[smem:$0x3FB6] =	sst s0  }
0x18: {  	s0 =	sld [smem:$0x3F99];
	_ =	swait.ge [sflag:s4], $0x0  }
0x19: {  	s7 =	sld [smem:$0x3F9A]  }
0x1a: {  	s8 =	sadd.s32 $0xFFFFE003, lr  }
0x1b: {  	s9 =	sadd.s32 $0xFFFFFEF7, lr;
	s5 =	simm.s32 $0xFFFFFFFF;
	p2 =	slt.u32 s8, $0xFFFFF086  }
0x1c: {  	p1 =	slt.u32 s9, $0xF7A;
	s5 =	simm.s32 @!p2 $0x0  }
0x1d: {  	s5 =	simm.s32 @p1 $0x1;
	p0 =	seq.s32 s7, s2  }
0x1e: {  	s7 =	smul.u32 @!p0 $0xF7A, s2;
	p2 =	seq.s32 @!p0 s5, $0x0  }
0x1f: {  	s9 =	smul.u32 $0xF7A, s1;
	s8 =	simm.s32 @!p0 $0x1BF5;
	p2 =	por !p2, p0  }
0x20: {  	[sflag:s8] =	ssyncset.s32 @!p0 $0xFFFFF086;
	s6 =	sadd.s32 @!p0 s3, s7;
	s7 =	simm.s32 @!p0 $0x108  }
0x21: {  	s3 =	sadd.s32 s3, s9;
	s6 =	sadd.s32 @!p0 $0x88, s6;
	s7 =	simm.s32 @p2 $0x1082  }
0x22: {  	[simem:s7], [sflag:s8] =	dma.local @!p0 [hbm:s6], $0xF7A  }
0x23: {  	s9 =	sor.u32 $0xD0000000, s2;
	s6 =	simm.s32 $0x108;
	_ =	swait.ge @!p0 [sflag:s8], $0x0  }
0x24: {  	s3 =	sadd.s32 $0x88, s3;
	s6 =	simm.s32 @!p1 $0x1082;
	[sflag:s4] =	ssyncset.s32 $0xFFFFF086  }
0x25: {  	[simem:s6], [sflag:s4] =	dma.local [hbm:s3], $0xF7A  }
0x26: {  	[smem:$0x3F9A] =	sst s1;
	(tag) =	ssettag s2;
	_ =	strace s9  }
0x27: {  	s1 =	sld [smem:$0x3FAA]  }
0x28: {  	s2 =	sld [smem:$0x3FAB]  }
0x29: {  	s4 =	sld [smem:$0x3FAD]  }
0x2a: {  	p0 =	seq.s32 s5, $0x0;
	s5 =	sld [smem:$0x3FAE]  }
0x2b: {  	s6 =	sld [smem:$0x3FAF]  }
0x2c: {  	s7 =	sld [smem:$0x3FB0]  }
0x2d: {  	s3 =	simm.s32 $0x108;
	s8 =	sld [smem:$0x3FB1]  }
0x2e: {  	s3 =	simm.s32 @!p0 $0x1082;
	s9 =	sld [smem:$0x3FB2]  }
0x2f: {  	lr =	sadd.s32 s0, s3;
	s0 =	sld [smem:$0x3FA9]  }
0x30: {  	s3 =	sld [smem:$0x3FAC]  }
0x31: {  	[smem:$0x3FB5] =	sst s10  }
0x32: {  	s10 =	sld [smem:$0x3FB3];
	_ =	sdelay $0x3  }
0x33: {  	p0 =	seq.s32 s10, $0x1;
	s10 =	sld [smem:$0x3FB5];
	_ =	sdelay $0x3  }
0x34: {  	[smem:$0x3FB5] =	sst s10  }
0x35: {  	s10 =	sld [smem:$0x3FB4];
	_ =	sdelay $0x3  }
0x36: {  	p1 =	seq.s32 s10, $0x1;
	s10 =	sld [smem:$0x3FB5];
	_ =	sdelay $0x3  }
0x37: {  	[smem:$0x3FB5] =	sst s10  }
0x38: {  	s10 =	sld [smem:$0x3FB6]  }
0x39: {  	_ = 	snop;
	(pc) =	sbr.ind lr, $3  }
0x3a: {  	_ = 	snop  }
0x3b: {  	_ = 	snop  }
0x3c: {  	p2 =	seq.s32 s10, $0x1;
	s10 =	sld [smem:$0x3FB5]  }
0x3d: {  	_ =	shalt  }
0x3e: {  	_ =	shalt  }
0x3f: {  	_ =	shalt  }
0x40: {  	_ =	shalt  }
0x41: {  	_ =	shalt  }
0x42: {  	_ =	shalt  }
0x43: {  	_ =	shalt  }
0x44: {  	_ =	shalt  }
0x45: {  	_ =	shalt  }
0x46: {  	_ =	shalt  }
0x47: {  	_ =	shalt  }
0x48: {  	_ =	shalt  }
0x49: {  	_ =	shalt  }
0x4a: {  	_ =	shalt  }
0x4b: {  	_ =	shalt  }
0x4c: {  	_ =	shalt  }
0x4d: {  	_ =	shalt  }
0x4e: {  	_ =	shalt  }
0x4f: {  	_ =	shalt  }
0x50: {  	_ =	shalt  }
0x51: {  	_ =	shalt  }
0x52: {  	_ =	shalt  }
0x53: {  	_ =	shalt  }
0x54: {  	_ =	shalt  }
0x55: {  	_ =	shalt  }
0x56: {  	_ =	shalt  }
0x57: {  	_ =	shalt  }
0x58: {  	_ =	shalt  }
0x59: {  	_ =	shalt  }
0x5a: {  	_ =	shalt  }
0x5b: {  	_ =	shalt  }
0x5c: {  	_ =	shalt  }
0x5d: {  	_ =	shalt  }
0x5e: {  	_ =	shalt  }
0x5f: {  	_ =	shalt  }
0x60: {  	_ =	shalt  }
0x61: {  	_ =	shalt  }
0x62: {  	_ =	shalt  }
0x63: {  	_ =	shalt  }
0x64: {  	_ =	shalt  }
0x65: {  	_ =	shalt  }
0x66: {  	_ =	shalt  }
0x67: {  	_ =	shalt  }
0x68: {  	_ =	shalt  }
0x69: {  	_ =	shalt  }
0x6a: {  	_ =	shalt  }
0x6b: {  	_ =	shalt  }
0x6c: {  	_ =	shalt  }
0x6d: {  	_ =	shalt  }
0x6e: {  	_ =	shalt  }
0x6f: {  	_ =	shalt  }
0x70: {  	_ =	shalt  }
0x71: {  	_ =	shalt  }
0x72: {  	_ =	shalt  }
0x73: {  	_ =	shalt  }
0x74: {  	_ =	shalt  }
0x75: {  	_ =	shalt  }
0x76: {  	_ =	shalt  }
0x77: {  	_ =	shalt  }
0x78: {  	_ =	shalt  }
0x79: {  	_ =	shalt  }
0x7a: {  	_ =	shalt  }
0x7b: {  	_ =	shalt  }
0x7c: {  	_ =	shalt  }
0x7d: {  	_ =	shalt  }
0x7e: {  	_ =	shalt  }
0x7f: {  	_ =	shalt  }
0x80: {  	_ =	shalt  }
0x81: {  	_ =	shalt  }
0x82: {  	_ =	shalt  }
0x83: {  	_ =	shalt  }
0x84: {  	_ =	shalt  }
0x85: {  	_ =	shalt  }
0x86: {  	_ =	shalt  }
0x87: {  	_ =	shalt  }
.Lfunc_end0:
.L_simem_size_0:
called_computation_lowered:
.L_overlay_start_0:
0x88: {  	s2 =	sld [smem:$0x3FD9]  }
0x89: {  	s3 =	sld [smem:$0x3FFE];
	_ =	sdelay $0x1  }
0x8a: {  	s1 =	srdreg.scid  }
0x8b: {  	s0 =	sand.u32 $0x1, s1  }
0x8c: {  	s17 =	sshll.u32 s0, $0xA;
	s2 =	sadd.s32 s3, s2  }
0x8d: {  	s2 =	sadd.s32 s2, s17  }
0x8e: {  	[smem:$0x3FC1] =	sst s2  }
0x8f: {  	_ = 	snop  }
0x90: {  	s2 =	sld [smem:$0x3FD0];
	(tm) =	ssettm $0x1  }
0x91: {  	s18 =	sld [smem:$0x3FFB];
	_ =	sdelay $0x3  }
0x92: {  	_ =	strace s18  }
0x93: {  	s3 =	sld [smem:$0x3FFC];
	_ =	sdelay $0x3  }
0x94: {  	_ =	strace s3  }
0x95: {  	s3 =	sld [smem:$0x3FFD];
	_ =	sdelay $0x3  }
0x96: {  	_ =	strace s3  }
0x97: {  	_ =	strace $0x8FFFFFFF  }
0x98: {  	s19 =	sld [smem:$0x3FDB];
	_ =	sdelay $0x1  }
0x99: {  	s4 =	simm.s32 $_scs_section_size  }
0x9a: {  	s5 =	simm.s32 $_size__tile_overlayer_lowered;
	s6 =	simm.s32 $_tile_overlayer_lowered  }
0x9b: {  	s22 =	simm.s32 $0x1BFF;
	s21 =	sshll.u32 s6, $0x1;
	s3 =	sadd.s32 s4, s19  }
0x9c: {  	s7 =	simm.s32 $0x0;
	s20 =	sshll.u32 s5, $0x1;
	s5 =	sadd.s32 s21, s3  }
0x9d: {  	[timem:s7], [sflag:s22] =	dma.local [hbm:s5], s20  }
0x9e: {  	_ =	swait.ge [sflag:s22], s20  }
0x9f: {  	s4 =	ssub.s32 $0x0, s20;
	[sflag:s22] =	ssyncset.done $0x0  }
0xa0: {  	[sflag:s22] =	ssyncadd.s32 s4;
	_ =	sdelay $0x1  }
0xa1: {  	s23 =	simm.s32 $0x1B8B  }
0xa2: {  	_ =	swait.ge [sflag:s23], $0x1  }
0xa3: {  	[sflag:s23] =	ssyncset.done $0x0  }
0xa4: {  	s25 =	simm.s32 $0x1B8E;
	s24 =	sld [smem:$0x3FFE];
	[sflag:s23] =	ssyncadd.s32 $0xFFFFFFFF  }
0xa5: {  	s26 =	simm.s32 $execute0_lowered;
	[smem:$0x3FD2] =	sst s25  }
0xa6: {  	s5 =	sshll.u32 s26, $0x1;
	_ =	strace $0x80000046;
	[dreg:$0x1] =	wrdreg $0xFFFFFFFF  }
0xa7: {  	s28 =	simm.s32 $_size_execute0_lowered;
	s3 =	sadd.s32 s3, s5;
	[dreg:$0x0] =	wrdreg $0x0  }
0xa8: {  	s5 =	sshll.u32 s28, $0x1;
	[dreg:$0x2] =	wrdreg s3  }
0xa9: {  	[dreg:$0x3] =	wrdreg s5  }
0xaa: {  	[dreg:$0x4] =	wrdreg $0xC0  }
0xab: {  	_ =	task [dreg:s7], $0x5FFFF  }
0xac: {  	[dreg:$0x1] =	wrdreg $0xFFFFFFFF  }
0xad: {  	[dreg:$0x0] =	wrdreg $0x60  }
0xae: {  	[dreg:$0x2] =	wrdreg s24  }
0xaf: {  	[dreg:$0x3] =	wrdreg s2  }
0xb0: {  	[dreg:$0x4] =	wrdreg $0x9  }
0xb1: {  	_ =	task.clear_ibuf [dreg:s7], $0x5FFFF;
	_ =	strace $0x90000046  }
0xb2: {  	s29 =	simm.s32 $0x9;
	_ =	strace $0x80000048  }
0xb3: {  	_ =	swait.ge [sflag:s29], $0x1  }
0xb4: {  	[sflag:s29] =	ssyncadd.s32 $0xFFFFFFFF  }
0xb5: {  	_ =	strace $0x90000048  }
0xb6: {  	_ =	sfence  }
0xb7: {  	s30 =	sld [smem:$0x0];
	_ =	sdelay $0x2  }
0xb8: {  	s31 =	sshll.u32 s1, $0xD;
	s1 =	sshrl.u32 s1, $0x2  }
0xb9: {  	s3 =	sand.u32 $0x4000, s31;
	s1 =	sadd.s32 s1, s30  }
0xba: {  	s0 =	sor.u32 s3, s0;
	s1 =	sshll.u32 s1, $0x11  }
0xbb: {  	s0 =	sor.u32 s1, s0  }
0xbc: {  	s0 =	sadd.s32 $0x8F2B, s0  }
0xbd: {  	[sflag:s0] =	ssyncadd.remote.s32 $0x1  }
0xbe: {  	_ =	sfence.sel $0xFFFF  }
0xbf: {  	[dreg:$0x0] =	wrdreg $0xFFFFFFFF;
	(pc) =	sbr.abs _section_cstart, $3  }
0xc0: {  	[dreg:$0x1] =	wrdreg $0xFFFFFFFF  }
0xc1: {  	_ =	task.clear_ibuf [dreg:s7], $0x2FFFF;
	_ =	strace $0x9FFFFFFF  }
0xc2: {  	(tm) =	ssettm $0x7FFFFFFF  }
0xc3: {  	_ =	shalt  }
tec
execute0_lowered:
.L_overlay_start_1:
0x0: {  	(tag) =	ssettag $0x1  }
0x1: {  	s3 =	rddreg [dreg:$0x0]  }
0x2: {  	s1 =	rddreg [dreg:$0x1];
	s2 =	simm.s32 $0x0  }
0x3: {  	s6 =	srdreg.scid;
	s12 =	simm.s32 $0x1;
	s13 =	simm.s32 $0x8E00  }
0x4: {  	s14 =	simm.s32 $0x8600;
	s15 =	simm.s32 $0x8800;
	s16 =	simm.s32 $0x80  }
0x5: {  	s17 =	simm.s32 $0x400;
	s18 =	simm.s32 $0x8E80;
	s19 =	simm.s32 $0x0  }
0x6: {  	[smem:$0x7FF] =	sst s2;
	s4 =	sadd.s32 $0x1000, s3;
	s5 =	sadd.s32 $0x41000, s3  }
0x7: {  	s7 =	sand.u32 $0x1, s6;
	s6 =	sadd.s32 $0x41200, s3;
	s3 =	stileid.u32  }
0x8: {  	_ =	strace $0x80000047;
	s8 =	ssub.s32 $0x2, s7;
	s10 =	sshll.u32 s3, $0x2  }
0x9: {  	s7 =	sshll.u32 s7, $0x1;
	s31 =	sshrl.u32 s3, $0x1;
	s9 =	sshrl.u32 s8, $0x1  }
0xa: {  	s7 =	sor.u32 s7, s10;
	s11 =	ssub.s32 s8, s9;
	s8 =	sshll.u32 s31, $0xA  }
0xb: {  	v0 =	vlaneseq.u32;
	v1 =	vimm.s32 $0x0;
	s9 =	smul.u32 $0xC00, s31;
	s10 =	smax.u32 s11, $0x1;
	s11 =	simm.s32 $0x8000  }
.LBB2_1:
0xc: {  	[tilespmem:s11], [sflag:$0x1] =	stream.linear.gather [hbm4b:s5+s2], $0x480, $0x38;
	[tilespmem:$0x9000] =	vst v63  }
0xd: {  	_ =	swait.ge [sflag:s12], $0x480  }
0xe: {  	[sflag:s12] =	ssyncset.done $0x0  }
0xf: {  	p1 =	por $0x1, $0x1;
	s20 =	simm.s32 $0x0;
	[sflag:s12] =	ssyncadd.s32 $0xFFFFFB80  }
.LBB2_2:
0x10: {  	s20 =	sor.u32 s7, s20  }
0x11: {  	s21 =	sshll.u32 s20, $0xC;
	s20 =	sshll.u32 s20, $0x7  }
0x12: {  	s22 =	simm.s32 $0x0;
	s21 =	sadd.s32 s4, s21;
	s20 =	sand.u32 $0x380, s20  }
0x13: {  	[tilespmem:s22], [sflag:$0x1] =	stream.linear.gather [hbm4b:s21+s22], $0x8000, $0x38;
	[tilespmem:$0x9000] =	vst v63  }
0x14: {  	s30 =	sor.u32 s8, s20;
	_ =	swait.ge [sflag:s12], $0x8000  }
0x15: {  	s21 =	sshrl.u32 s30, $0x3;
	[sflag:s12] =	ssyncset.done $0x0  }
0x16: {  	s21 =	sadd.s32 s1, s21;
	[sflag:s12] =	ssyncadd.s32 $0xFFFF8000  }
0x17: {  	[tilespmem:s13], [sflag:$0x1] =	stream.linear.gather [hbm4b:s21+s22], $0x80, $0x38;
	[tilespmem:$0x9000] =	vst v63  }
0x18: {  	_ =	swait.ge [sflag:s12], $0x80  }
0x19: {  	[sflag:s12] =	ssyncset.done $0x0  }
0x1a: {  	[sflag:s12] =	ssyncadd.s32 $0xFFFFFF80  }
0x1b: {  	s31 =	sand.u32 $0x1F0, s22;
	v2 =	vld [tilespmem:$0x8E00]  }
0x1c: {  	v3 =	vld [tilespmem:s31+$0x8300]  }
0x1d: {  	s23 =	simm.s32 $0x8000;
	v4 =	vld [tilespmem:s31+$0x8180]  }
0x1e: {  	v5 =	vld [tilespmem:s23+$0x0];
	_ =	sdelay $0x4  }
0x1f: {  	vm0 =	veq.s32 v2, $0x0;
	v4 =	vxor.u32 v5, v4;
	v3 =	vxor.u32 v5, v3  }
0x20: {  	s24 =	simm.s32 $0x8480;
	v5 =	vsel vm0, v4, v3  }
0x21: {  	s21 =	simm.s32 $0x10;
	s23 =	simm.s32 $0x8600;
	v2 =	vld [tilespmem:$0x8E10];
	v3 =	vsel vm0, v3, v4;
	[tilespmem:s24+$0x0] =	vst v5  }
0x22: {  	s25 =	sand.u32 $0x1F0, s21;
	[tilespmem:s23+$0x0] =	vst v3  }
0x23: {  	v3 =	vld [tilespmem:s25+$0x8300]  }
0x24: {  	v4 =	vld [tilespmem:s25+$0x8180];
	s25 =	simm.s32 $0x8010  }
0x25: {  	p0 =	por p1, p1;
	s26 =	simm.s32 $0x20;
	v5 =	vld [tilespmem:s25+$0x0]  }
.LBB2_3:
0x26: {  	p1 =	sne.s32 s26, $0x170;
	_ =	sdelay $0x3  }
0x27: {  	v4 =	vxor.u32 v5, v4;
	v3 =	vxor.u32 v5, v3  }
0x28: {  	s24 =	sadd.s32 $0x10, s24;
	v5 =	vsel vm0, v4, v3;
	v3 =	vsel vm0, v3, v4  }
.Ltmp0:
0x29: {  	s23 =	sadd.s32 $0x10, s23;
	[tilespmem:s24+$0x0] =	vst v5;
	(pc) =	sbr.rel @p1 .LBB2_3-.Ltmp0, $4  }
0x2a: {  	s28 =	sand.u32 $0x1F0, s26;
	[tilespmem:s23+$0x0] =	vst v3  }
0x2b: {  	v3 =	vld [tilespmem:s28+$0x8300]  }
0x2c: {  	s25 =	sadd.s32 $0x10, s25;
	v4 =	vld [tilespmem:s28+$0x8180]  }
0x2d: {  	s26 =	sadd.s32 $0x10, s26;
	v5 =	vld [tilespmem:s25+$0x0]  }
0x2e: {  	_ =	sdelay $0x1  }
0x2f: {  	v6 =	vor.u32 s22, v0  }
0x30: {  	v7 =	vshll.u32 v6, $0x2  }
0x31: {  	v4 =	vxor.u32 v5, v4;
	v3 =	vxor.u32 v5, v3;
	v5 =	vor.u32 $0x1, v7  }
0x32: {  	s30 =	sadd.s32 $0x10, s24;
	v8 =	vsel vm0, v4, v3  }
0x33: {  	s31 =	sadd.s32 $0x10, s23;
	v9 =	vor.u32 $0x2, v7;
	v3 =	vsel vm0, v3, v4;
	[tilespmem:s30+$0x0] =	vst v8  }
0x34: {  	v6 =	vshll.u32 v6, $0x4;
	v4 =	vor.u32 $0x3, v7;
	[tilespmem:s31+$0x0] =	vst v3  }
0x35: {  	v3 =	vor.u32 $0x1, v6;
	v7 =	vld.idx.msk [tilespmem:v7+s14+$0x0], $0xffff  }
0x36: {  	v8 =	vor.u32 $0x2, v6;
	v5 =	vld.idx.msk [tilespmem:v5+s14+$0x0], $0xffff  }
0x37: {  	v10 =	vor.u32 $0x3, v6  }
0x38: {  	v11 =	vor.u32 $0x4, v6;
	v9 =	vld.idx.msk [tilespmem:v9+s14+$0x0], $0xffff  }
0x39: {  	v12 =	vor.u32 $0x5, v6;
	v4 =	vld.idx.msk [tilespmem:v4+s14+$0x0], $0xffff;
	[tilespmem:v6+s15+$0x0] =	vst.idx.msk $0xffff, v1  }
0x3a: {  	[tilespmem:v3+s15+$0x0] =	vst.idx.msk $0xffff, v7;
	v3 =	vor.u32 $0x6, v6  }
0x3b: {  	v13 =	vxor.u32 v7, v5;
	[tilespmem:v8+s15+$0x0] =	vst.idx.msk $0xffff, v5;
	v8 =	vor.u32 $0x7, v6  }
0x3c: {  	[tilespmem:v10+s15+$0x0] =	vst.idx.msk $0xffff, v13;
	v10 =	vor.u32 $0x8, v6  }
0x3d: {  	v56 =	vxor.u32 v7, v9;
	[tilespmem:v11+s15+$0x0] =	vst.idx.msk $0xffff, v9;
	v11 =	vor.u32 $0x9, v6  }
0x3e: {  	v57 =	vor.u32 $0xA, v6;
	v14 =	vxor.u32 v5, v9;
	[tilespmem:v12+s15+$0x0] =	vst.idx.msk $0xffff, v56  }
0x3f: {  	v58 =	vxor.u32 v7, v14;
	[tilespmem:v3+s15+$0x0] =	vst.idx.msk $0xffff, v14;
	v3 =	vor.u32 $0xB, v6  }
0x40: {  	[tilespmem:v8+s15+$0x0] =	vst.idx.msk $0xffff, v58  }
0x41: {  	v59 =	vxor.u32 v7, v4;
	v8 =	vor.u32 $0xC, v6;
	[tilespmem:v10+s15+$0x0] =	vst.idx.msk $0xffff, v4  }
0x42: {  	v60 =	vxor.u32 v5, v4;
	v10 =	vor.u32 $0xD, v6;
	[tilespmem:v11+s15+$0x0] =	vst.idx.msk $0xffff, v59  }
0x43: {  	v61 =	vxor.u32 v7, v60;
	v4 =	vxor.u32 v9, v4;
	v11 =	vor.u32 $0xE, v6;
	[tilespmem:v57+s15+$0x0] =	vst.idx.msk $0xffff, v60  }
0x44: {  	v9 =	vor.u32 $0xF, v6;
	v63 =	vxor.u32 v5, v4;
	[tilespmem:v3+s15+$0x0] =	vst.idx.msk $0xffff, v61;
	v3 =	vor.u32 s21, v0  }
0x45: {  	v62 =	vxor.u32 v7, v4;
	v5 =	vxor.u32 v7, v63;
	v7 =	vshll.u32 v3, $0x2  }
0x46: {  	[tilespmem:v8+s15+$0x0] =	vst.idx.msk $0xffff, v4;
	v8 =	vor.u32 $0x1, v7  }
0x47: {  	[tilespmem:v10+s15+$0x0] =	vst.idx.msk $0xffff, v62  }
0x48: {  	s21 =	simm.s32 $0x20;
	v6 =	vor.u32 $0x2, v7;
	v4 =	vor.u32 $0x3, v7;
	[tilespmem:v11+s15+$0x0] =	vst.idx.msk $0xffff, v63  }
.LBB2_5:
0x49: {  	p1 =	sne.s32 s21, $0x50;
	[tilespmem:v9+s15+$0x0] =	vst.idx.msk $0xffff, v5;
	s22 =	smov.u32 s21;
	s21 =	sadd.s32 $0x10, s21  }
0x4a: {  	v9 =	vshll.u32 v3, $0x4;
	v3 =	vld.idx.msk [tilespmem:v7+s14+$0x0], $0xffff  }
0x4b: {  	v7 =	vor.u32 $0x1, v9;
	v5 =	vld.idx.msk [tilespmem:v8+s14+$0x0], $0xffff  }
0x4c: {  	v8 =	vor.u32 $0x2, v9  }
0x4d: {  	v10 =	vor.u32 $0x3, v9;
	v6 =	vld.idx.msk [tilespmem:v6+s14+$0x0], $0xffff  }
0x4e: {  	v11 =	vor.u32 $0x4, v9;
	v4 =	vld.idx.msk [tilespmem:v4+s14+$0x0], $0xffff  }
0x4f: {  	v12 =	vor.u32 $0x5, v9;
	[tilespmem:v9+s15+$0x0] =	vst.idx.msk $0xffff, v1  }
0x50: {  	[tilespmem:v7+s15+$0x0] =	vst.idx.msk $0xffff, v3;
	v7 =	vor.u32 $0x6, v9  }
0x51: {  	v13 =	vxor.u32 v3, v5;
	[tilespmem:v8+s15+$0x0] =	vst.idx.msk $0xffff, v5;
	v8 =	vor.u32 $0x7, v9  }
0x52: {  	[tilespmem:v10+s15+$0x0] =	vst.idx.msk $0xffff, v13;
	v10 =	vor.u32 $0x8, v9  }
0x53: {  	v13 =	vxor.u32 v3, v6;
	v14 =	vxor.u32 v5, v6;
	[tilespmem:v11+s15+$0x0] =	vst.idx.msk $0xffff, v6;
	v11 =	vor.u32 $0x9, v9  }
0x54: {  	v15 =	vxor.u32 v3, v14;
	v16 =	vxor.u32 v3, v4;
	[tilespmem:v12+s15+$0x0] =	vst.idx.msk $0xffff, v13;
	v12 =	vor.u32 $0xA, v9  }
0x55: {  	v17 =	vxor.u32 v6, v4;
	v6 =	vor.u32 $0xB, v9;
	v13 =	vxor.u32 v5, v4;
	[tilespmem:v7+s15+$0x0] =	vst.idx.msk $0xffff, v14  }
0x56: {  	v18 =	vxor.u32 v3, v17;
	v14 =	vxor.u32 v3, v13;
	[tilespmem:v8+s15+$0x0] =	vst.idx.msk $0xffff, v15;
	v15 =	vor.u32 $0xC, v9  }
0x57: {  	v19 =	vxor.u32 v5, v17;
	[tilespmem:v10+s15+$0x0] =	vst.idx.msk $0xffff, v4;
	v10 =	vor.u32 $0xD, v9  }
0x58: {  	v5 =	vxor.u32 v3, v19;
	[tilespmem:v11+s15+$0x0] =	vst.idx.msk $0xffff, v16;
	v11 =	vor.u32 $0xE, v9  }
.Ltmp1:
0x59: {  	v3 =	vor.u32 s22, v0;
	v9 =	vor.u32 $0xF, v9;
	[tilespmem:v12+s15+$0x0] =	vst.idx.msk $0xffff, v13;
	(pc) =	sbr.rel @p1 .LBB2_5-.Ltmp1, $4  }
0x5a: {  	v7 =	vshll.u32 v3, $0x2;
	[tilespmem:v6+s15+$0x0] =	vst.idx.msk $0xffff, v14  }
0x5b: {  	v8 =	vor.u32 $0x1, v7;
	v4 =	vor.u32 $0x3, v7;
	v6 =	vor.u32 $0x2, v7;
	[tilespmem:v15+s15+$0x0] =	vst.idx.msk $0xffff, v17  }
0x5c: {  	[tilespmem:v10+s15+$0x0] =	vst.idx.msk $0xffff, v18  }
0x5d: {  	[tilespmem:v11+s15+$0x0] =	vst.idx.msk $0xffff, v19  }
0x5e: {  	_ =	sdelay $0x3  }
0x5f: {  	[tilespmem:v9+s15+$0x0] =	vst.idx.msk $0xffff, v5;
	v3 =	vshll.u32 v3, $0x4  }
0x60: {  	v5 =	vld.idx.msk [tilespmem:v7+s14+$0x0], $0xffff;
	v48 =	vor.u32 $0x1, v3  }
0x61: {  	v8 =	vld.idx.msk [tilespmem:v8+s14+$0x0], $0xffff;
	v49 =	vor.u32 $0x2, v3  }
0x62: {  	v10 =	vor.u32 $0x3, v3  }
0x63: {  	v6 =	vld.idx.msk [tilespmem:v6+s14+$0x0], $0xffff;
	v11 =	vor.u32 $0x4, v3  }
0x64: {  	v4 =	vld.idx.msk [tilespmem:v4+s14+$0x0], $0xffff;
	v12 =	vor.u32 $0x5, v3;
	[tilespmem:v3+s15+$0x0] =	vst.idx.msk $0xffff, v1  }
0x65: {  	v50 =	vor.u32 $0x6, v3;
	[tilespmem:v48+s15+$0x0] =	vst.idx.msk $0xffff, v5  }
0x66: {  	v51 =	vor.u32 $0x7, v3;
	v13 =	vxor.u32 v5, v8;
	[tilespmem:v49+s15+$0x0] =	vst.idx.msk $0xffff, v8  }
0x67: {  	v52 =	vor.u32 $0x8, v3;
	[tilespmem:v10+s15+$0x0] =	vst.idx.msk $0xffff, v13  }
0x68: {  	v54 =	vor.u32 $0x9, v3;
	v53 =	vxor.u32 v5, v6;
	[tilespmem:v11+s15+$0x0] =	vst.idx.msk $0xffff, v6  }
0x69: {  	v55 =	vor.u32 $0xA, v3;
	v14 =	vxor.u32 v8, v6;
	[tilespmem:v12+s15+$0x0] =	vst.idx.msk $0xffff, v53  }
0x6a: {  	v57 =	vor.u32 $0xB, v3;
	v56 =	vxor.u32 v5, v14;
	[tilespmem:v50+s15+$0x0] =	vst.idx.msk $0xffff, v14  }
0x6b: {  	v58 =	vor.u32 $0xC, v3;
	[tilespmem:v51+s15+$0x0] =	vst.idx.msk $0xffff, v56  }
0x6c: {  	v60 =	vor.u32 $0xD, v3;
	v59 =	vxor.u32 v5, v4;
	[tilespmem:v52+s15+$0x0] =	vst.idx.msk $0xffff, v4  }
0x6d: {  	v62 =	vor.u32 $0xE, v3;
	v61 =	vxor.u32 v8, v4;
	[tilespmem:v54+s15+$0x0] =	vst.idx.msk $0xffff, v59  }
0x6e: {  	v3 =	vor.u32 $0xF, v3;
	v63 =	vxor.u32 v5, v61;
	[tilespmem:v55+s15+$0x0] =	vst.idx.msk $0xffff, v61  }
0x6f: {  	v4 =	vxor.u32 v6, v4;
	[tilespmem:v57+s15+$0x0] =	vst.idx.msk $0xffff, v63  }
0x70: {  	v6 =	vxor.u32 v5, v4;
	[tilespmem:v58+s15+$0x0] =	vst.idx.msk $0xffff, v4  }
0x71: {  	v4 =	vxor.u32 v8, v4;
	[tilespmem:v60+s15+$0x0] =	vst.idx.msk $0xffff, v6  }
0x72: {  	v5 =	vxor.u32 v5, v4;
	[tilespmem:v62+s15+$0x0] =	vst.idx.msk $0xffff, v4  }
0x73: {  	s21 =	simm.s32 $0x0;
	s22 =	simm.s32 $0x0;
	[tilespmem:v3+s15+$0x0] =	vst.idx.msk $0xffff, v5  }
.LBB2_7:
0x74: {  	s23 =	sshll.u32 s22, $0x4;
	s24 =	simm.s32 $0x6  }
0x75: {  	s25 =	simm.s32 $0x4;
	s26 =	simm.s32 $0x5;
	s28 =	simm.s32 $0x2;
	v14 =	vimm.s32 $0x0;
	v3 =	vor.u32 s23, v0;
	v6 =	vmov s24  }
0x76: {  	s29 =	simm.s32 $0x3;
	s30 =	simm.s32 $0x1;
	s31 =	simm.s32 $0x60;
	v7 =	vmov s25;
	v8 =	vmov s26;
	v9 =	vmov s28  }
0x77: {  	s0 =	simm.s32 $0x7;
	v10 =	vmov s29;
	v11 =	vmov s30;
	v15 =	vmov s31  }
0x78: {  	v16 =	vmov s0;
	v3 =	vmin.u32 v3, $0x168;
	v6 =	vadd.s32 $0x1, v6  }
0x79: {  	s26 =	simm.s32 $0x30;
	v8 =	vadd.s32 $0x1, v8;
	v7 =	vadd.s32 $0x1, v7;
	v4 =	vmul.u32 $0x169, v3  }
0x7a: {  	v9 =	vadd.s32 $0x1, v9;
	v15 =	vand.u32 $0xFFFFFFF0, v15;
	v17 =	vmov s26  }
0x7b: {  	s30 =	simm.s32 $0x40;
	v6 =	vbroadcast v6, $0x0;
	v5 =	vshrl.u32 v4, $0x2;
	v4 =	vmov s21  }
0x7c: {  	v18 =	vmov s30;
	v7 =	vbroadcast v7, $0x0;
	v4 =	vadd.s32 $0x1, v4  }
0x7d: {  	s31 =	simm.s32 $0x50;
	s28 =	simm.s32 $0x0;
	v9 =	vbroadcast v9, $0x0;
	v6 =	vadd.s32 v5, v6;
	v4 =	vbroadcast v4, $0x0  }
0x7e: {  	v19 =	vmov s31;
	v20 =	vmov s28;
	v7 =	vadd.s32 v5, v7  }
0x7f: {  	s29 =	simm.s32 $0x10;
	s0 =	simm.s32 $0x20;
	v9 =	vadd.s32 v5, v9;
	v12 =	vadd.s32 v5, v4;
	v4 =	vbroadcast v8, $0x0  }
0x80: {  	v21 =	vmov s29;
	v22 =	vmov s0;
	v8 =	vadd.s32 $0x1, v10  }
0x81: {  	v8 =	vbroadcast v8, $0x0;
	v10 =	vadd.s32 v5, v4;
	v4 =	vadd.s32 $0x1, v11;
	v11 =	vld.idx.msk [tilespmem:v5+s21+$0x0], $0xffff  }
0x82: {  	v3 =	vshll.u32 v3, $0x3;
	v18 =	vand.u32 $0xFFFFFFF0, v18;
	v6 =	vld.idx.msk [tilespmem:v6+s2+$0x0], $0xffff;
	v13 =	vbroadcast v4, $0x0  }
0x83: {  	v19 =	vand.u32 $0xFFFFFFF0, v19;
	v15 =	vbroadcast v15, $0x0;
	v7 =	vld.idx.msk [tilespmem:v7+s2+$0x0], $0xffff;
	v8 =	vadd.s32 v5, v8  }
0x84: {  	v22 =	vand.u32 $0xFFFFFFF0, v22;
	v17 =	vand.u32 $0xFFFFFFF0, v17;
	v9 =	vld.idx.msk [tilespmem:v9+s2+$0x0], $0xffff;
	v13 =	vadd.s32 v5, v13  }
0x85: {  	v21 =	vand.u32 $0xFFFFFFF0, v21;
	v19 =	vbroadcast v19, $0x0;
	v17 =	vbroadcast v17, $0x0  }
0x86: {  	v20 =	vand.u32 $0xFFFFFFF0, v20;
	v18 =	vbroadcast v18, $0x0;
	v21 =	vbroadcast v21, $0x0;
	v12 =	vld.idx.msk [tilespmem:v12+s2+$0x0], $0xffff  }
0x87: {  	v3 =	vand.u32 $0x18, v3;
	v22 =	vbroadcast v22, $0x0;
	v20 =	vbroadcast v20, $0x0;
	v10 =	vld.idx.msk [tilespmem:v10+s2+$0x0], $0xffff  }
0x88: {  	v4 =	vxor.u32 $0x1F, v3;
	v11 =	vshrl.u32 v11, v3;
	v24 =	vshrl.u32 v7, v3;
	v8 =	vld.idx.msk [tilespmem:v8+s2+$0x0], $0xffff  }
0x89: {  	v27 =	vshll.u32 v6, v4;
	v29 =	vshrl.u32 v9, v3;
	v9 =	vshll.u32 v9, v4;
	v13 =	vld.idx.msk [tilespmem:v13+s2+$0x0], $0xffff  }
0x8a: {  	v7 =	vshll.u32 v7, v4;
	v27 =	vshll.u32 v27, $0x1;
	v9 =	vshll.u32 v9, $0x1  }
0x8b: {  	v7 =	vshll.u32 v7, $0x1;
	v23 =	vshll.u32 v12, v4;
	v12 =	vshrl.u32 v12, v3  }
0x8c: {  	v23 =	vshll.u32 v23, $0x1;
	v25 =	vshrl.u32 v10, v3;
	v10 =	vshll.u32 v10, v4  }
0x8d: {  	v11 =	vor.u32 v11, v23;
	v26 =	vshrl.u32 v8, v3;
	v8 =	vshll.u32 v8, v4  }
0x8e: {  	v10 =	vshll.u32 v10, $0x1;
	v28 =	vshrl.u32 v13, v3;
	v13 =	vshll.u32 v13, v4  }
0x8f: {  	v11 =	vmul.u32 $0x204081, v11;
	v8 =	vshll.u32 v8, $0x1;
	v13 =	vshll.u32 v13, $0x1  }
0x90: {  	v7 =	vor.u32 v26, v7;
	v10 =	vor.u32 v24, v10;
	v12 =	vor.u32 v12, v13  }
0x91: {  	v8 =	vor.u32 v29, v8;
	v9 =	vor.u32 v28, v9;
	v12 =	vmul.u32 $0x204081, v12  }
0x92: {  	v10 =	vmul.u32 $0x204081, v10;
	v11 =	vshrl.u32 v11, $0x15;
	v9 =	vmul.u32 $0x204081, v9  }
0x93: {  	v11 =	vand.u32 $0xF, v11;
	v8 =	vmul.u32 $0x204081, v8;
	v12 =	vshrl.u32 v12, $0x15  }
0x94: {  	v11 =	vor.u32 v20, v11;
	v9 =	vshrl.u32 v9, $0x15;
	v12 =	vand.u32 $0xF, v12  }
0x95: {  	v8 =	vshrl.u32 v8, $0x15;
	v9 =	vand.u32 $0xF, v9;
	v12 =	vor.u32 v21, v12  }
0x96: {  	v7 =	vmul.u32 $0x204081, v7;
	v8 =	vand.u32 $0xF, v8;
	v9 =	vor.u32 v22, v9  }
0x97: {  	v57 =	vor.u32 v25, v27;
	v10 =	vshrl.u32 v10, $0x15;
	v8 =	vor.u32 v17, v8  }
0x98: {  	s26 =	simm.s32 $0xB;
	v13 =	vmul.u32 $0x204081, v57;
	v7 =	vshrl.u32 v7, $0x15;
	v10 =	vand.u32 $0xF, v10  }
0x99: {  	s28 =	simm.s32 $0xC;
	v58 =	vmov s26;
	v7 =	vand.u32 $0xF, v7;
	v10 =	vor.u32 v19, v10;
	v11 =	vld.idx.msk [tilespmem:v11+s15+$0x0], $0xffff  }
0x9a: {  	s30 =	simm.s32 $0xA;
	s31 =	simm.s32 $0x8;
	v59 =	vmov s28;
	v7 =	vor.u32 v18, v7;
	v13 =	vshrl.u32 v13, $0x15;
	v12 =	vld.idx.msk [tilespmem:v12+s15+$0x0], $0xffff  }
0x9b: {  	v60 =	vmov s30;
	v61 =	vmov s31;
	v13 =	vand.u32 $0xF, v13;
	v9 =	vld.idx.msk [tilespmem:v9+s15+$0x0], $0xffff  }
0x9c: {  	s25 =	simm.s32 $0xD;
	v20 =	vadd.s32 $0x1, v60;
	v19 =	vadd.s32 $0x1, v59;
	v15 =	vor.u32 v15, v13;
	v8 =	vld.idx.msk [tilespmem:v8+s15+$0x0], $0xffff  }
0x9d: {  	v18 =	vadd.s32 $0x1, v58;
	v17 =	vmov s25;
	v13 =	vadd.s32 $0x1, v16  }
0x9e: {  	v17 =	vadd.s32 $0x1, v17;
	v13 =	vbroadcast v13, $0x0;
	v62 =	vld.idx.msk [tilespmem:v10+s15+$0x0], $0xffff;
	v10 =	vxor.u32 v14, v11  }
0x9f: {  	v18 =	vbroadcast v18, $0x0;
	v17 =	vbroadcast v17, $0x0;
	v7 =	vld.idx.msk [tilespmem:v7+s15+$0x0], $0xffff;
	v10 =	vxor.u32 v12, v10  }
0xa0: {  	s29 =	simm.s32 $0x9;
	v63 =	vadd.s32 v5, v13;
	v11 =	vbroadcast v19, $0x0;
	v9 =	vxor.u32 v9, v10  }
0xa1: {  	v16 =	vmov s29;
	v14 =	vadd.s32 v5, v17;
	v9 =	vxor.u32 v8, v9;
	v8 =	vld.idx.msk [tilespmem:v15+s15+$0x0], $0xffff  }
0xa2: {  	v16 =	vadd.s32 $0x1, v16;
	v17 =	vbroadcast v20, $0x0;
	v13 =	vadd.s32 v5, v11  }
0xa3: {  	v21 =	vadd.s32 $0x1, v61;
	v11 =	vbroadcast v16, $0x0;
	v12 =	vadd.s32 v5, v18  }
0xa4: {  	v10 =	vadd.s32 v5, v17;
	v15 =	vbroadcast v21, $0x0;
	v7 =	vxor.u32 v7, v9  }
0xa5: {  	s24 =	simm.s32 $0xD0;
	s25 =	simm.s32 $0xE;
	v11 =	vadd.s32 v5, v11;
	v9 =	vld.idx.msk [tilespmem:v63+s2+$0x0], $0xffff;
	v7 =	vxor.u32 v62, v7  }
.LBB2_8:
0xa6: {  	p1 =	slt.u32 s25, $0x54;
	v15 =	vadd.s32 v5, v15;
	v14 =	vld.idx.msk [tilespmem:v14+s2+$0x0], $0xffff;
	v16 =	vmov s24;
	v7 =	vxor.u32 v8, v7  }
0xa7: {  	v8 =	vmov s25;
	s26 =	sadd.s32 $0xFFFFFFD0, s24;
	s28 =	sadd.s32 $0xFFFFFFE0, s24;
	s29 =	sadd.s32 $0xFFFFFFF0, s24;
	v13 =	vld.idx.msk [tilespmem:v13+s2+$0x0], $0xffff;
	v16 =	vand.u32 $0xFFFFFFF0, v16  }
0xa8: {  	s30 =	sadd.s32 $0xFFFFFFA0, s24;
	s31 =	sadd.s32 $0xFFFFFFB0, s24;
	s0 =	sadd.s32 $0xFFFFFFC0, s24;
	v17 =	vmov s26;
	v18 =	vmov s28;
	v19 =	vmov s29;
	v12 =	vld.idx.msk [tilespmem:v12+s2+$0x0], $0xffff  }
0xa9: {  	v20 =	vmov s30;
	v21 =	vmov s31;
	v22 =	vmov s0;
	v10 =	vld.idx.msk [tilespmem:v10+s2+$0x0], $0xffff  }
0xaa: {  	v18 =	vand.u32 $0xFFFFFFF0, v18;
	v19 =	vand.u32 $0xFFFFFFF0, v19;
	v16 =	vbroadcast v16, $0x0;
	v11 =	vld.idx.msk [tilespmem:v11+s2+$0x0], $0xffff  }
0xab: {  	v22 =	vand.u32 $0xFFFFFFF0, v22;
	v17 =	vand.u32 $0xFFFFFFF0, v17;
	v19 =	vbroadcast v19, $0x0;
	v15 =	vld.idx.msk [tilespmem:v15+s2+$0x0], $0xffff  }
0xac: {  	v21 =	vand.u32 $0xFFFFFFF0, v21;
	v17 =	vbroadcast v17, $0x0;
	v18 =	vbroadcast v18, $0x0  }
0xad: {  	v20 =	vand.u32 $0xFFFFFFF0, v20;
	v21 =	vbroadcast v21, $0x0;
	v22 =	vbroadcast v22, $0x0  }
0xae: {  	v20 =	vbroadcast v20, $0x0;
	v23 =	vshll.u32 v9, v4;
	v9 =	vshrl.u32 v9, v3  }
0xaf: {  	v24 =	vshrl.u32 v6, v3;
	v6 =	vmovc v14;
	v26 =	vshrl.u32 v13, v3;
	v25 =	vshrl.u32 v12, v3  }
0xb0: {  	v14 =	vshll.u32 v14, v4;
	v13 =	vshll.u32 v13, v4;
	v27 =	vshrl.u32 v10, v3  }
0xb1: {  	v12 =	vshll.u32 v12, v4;
	v29 =	vshrl.u32 v11, v3;
	v28 =	vshrl.u32 v15, v3  }
0xb2: {  	v23 =	vshll.u32 v23, $0x1;
	v10 =	vshll.u32 v10, v4;
	v11 =	vshll.u32 v11, v4  }
0xb3: {  	v14 =	vshll.u32 v14, $0x1;
	v13 =	vshll.u32 v13, $0x1;
	v15 =	vshll.u32 v15, v4  }
0xb4: {  	v12 =	vshll.u32 v12, $0x1;
	v10 =	vshll.u32 v10, $0x1;
	v11 =	vshll.u32 v11, $0x1  }
0xb5: {  	v23 =	vor.u32 v24, v23;
	v14 =	vor.u32 v26, v14;
	v15 =	vshll.u32 v15, $0x1  }
0xb6: {  	v13 =	vor.u32 v25, v13;
	v12 =	vor.u32 v27, v12;
	v10 =	vor.u32 v29, v10  }
0xb7: {  	v23 =	vmul.u32 $0x204081, v23;
	v11 =	vor.u32 v28, v11;
	v9 =	vor.u32 v9, v15  }
0xb8: {  	v14 =	vmul.u32 $0x204081, v14;
	v13 =	vmul.u32 $0x204081, v13;
	v9 =	vmul.u32 $0x204081, v9  }
0xb9: {  	v12 =	vmul.u32 $0x204081, v12;
	v15 =	vshrl.u32 v23, $0x15;
	v11 =	vmul.u32 $0x204081, v11  }
0xba: {  	v10 =	vmul.u32 $0x204081, v10;
	v15 =	vand.u32 $0xF, v15;
	v9 =	vshrl.u32 v9, $0x15  }
0xbb: {  	v15 =	vor.u32 v20, v15;
	v11 =	vshrl.u32 v11, $0x15;
	v9 =	vand.u32 $0xF, v9  }
0xbc: {  	v10 =	vshrl.u32 v10, $0x15;
	v11 =	vand.u32 $0xF, v11;
	v9 =	vor.u32 v21, v9  }
0xbd: {  	v12 =	vshrl.u32 v12, $0x15;
	v10 =	vand.u32 $0xF, v10;
	v11 =	vor.u32 v22, v11  }
0xbe: {  	v13 =	vshrl.u32 v13, $0x15;
	v12 =	vand.u32 $0xF, v12;
	v10 =	vor.u32 v17, v10  }
0xbf: {  	s0 =	sadd.s32 $0x6, s25;
	v14 =	vshrl.u32 v14, $0x15;
	v13 =	vand.u32 $0xF, v13;
	v12 =	vor.u32 v18, v12  }
0xc0: {  	s26 =	sadd.s32 $0x4, s25;
	s28 =	sadd.s32 $0x5, s25;
	v14 =	vand.u32 $0xF, v14;
	v13 =	vor.u32 v19, v13;
	v17 =	vmov s0;
	v15 =	vld.idx.msk [tilespmem:v15+s15+$0x0], $0xffff  }
0xc1: {  	s29 =	sadd.s32 $0x3, s25;
	v14 =	vor.u32 v16, v14;
	v19 =	vmov s28;
	v18 =	vmov s26;
	s0 =	sadd.s32 $0x2, s25;
	v9 =	vld.idx.msk [tilespmem:v9+s15+$0x0], $0xffff  }
0xc2: {  	v8 =	vadd.s32 $0x1, v8;
	s26 =	sadd.s32 $0x1, s25;
	v20 =	vmov s29;
	v16 =	vmov s0;
	v11 =	vld.idx.msk [tilespmem:v11+s15+$0x0], $0xffff  }
0xc3: {  	v19 =	vadd.s32 $0x1, v19;
	v17 =	vadd.s32 $0x1, v17;
	v21 =	vmov s26;
	v10 =	vld.idx.msk [tilespmem:v10+s15+$0x0], $0xffff  }
0xc4: {  	v8 =	vbroadcast v8, $0x0;
	v20 =	vadd.s32 $0x1, v20;
	v18 =	vadd.s32 $0x1, v18;
	v22 =	vld.idx.msk [tilespmem:v12+s15+$0x0], $0xffff  }
0xc5: {  	v21 =	vadd.s32 $0x1, v21;
	v12 =	vadd.s32 $0x1, v16;
	v16 =	vbroadcast v17, $0x0;
	v17 =	vld.idx.msk [tilespmem:v13+s15+$0x0], $0xffff  }
0xc6: {  	v23 =	vadd.s32 v5, v8;
	v13 =	vbroadcast v19, $0x0;
	v7 =	vxor.u32 v7, v15;
	v8 =	vld.idx.msk [tilespmem:v14+s15+$0x0], $0xffff  }
.Ltmp2:
0xc7: {  	v15 =	vbroadcast v18, $0x0;
	v14 =	vadd.s32 v5, v16;
	v7 =	vxor.u32 v9, v7;
	(pc) =	sbr.rel @p1 .LBB2_8-.Ltmp2, $4  }
0xc8: {  	v9 =	vbroadcast v20, $0x0;
	v13 =	vadd.s32 v5, v13;
	v7 =	vxor.u32 v11, v7  }
0xc9: {  	v11 =	vbroadcast v12, $0x0;
	v12 =	vadd.s32 v5, v15;
	v7 =	vxor.u32 v10, v7  }
0xca: {  	v15 =	vbroadcast v21, $0x0;
	v10 =	vadd.s32 v5, v9;
	v7 =	vxor.u32 v22, v7  }
0xcb: {  	s24 =	sadd.s32 $0x70, s24;
	s25 =	sadd.s32 $0x7, s25;
	v11 =	vadd.s32 v5, v11;
	v7 =	vxor.u32 v17, v7;
	v9 =	vld.idx.msk [tilespmem:v23+s2+$0x0], $0xffff  }
0xcc: {  	_ =	sdelay $0x2  }
0xcd: {  	v5 =	vadd.s32 v5, v15;
	v47 =	vmov s24;
	s0 =	sadd.s32 $0xFFFFFFD0, s24;
	s25 =	sadd.s32 $0xFFFFFFE0, s24;
	v6 =	vshrl.u32 v6, v3  }
0xce: {  	v14 =	vld.idx.msk [tilespmem:v14+s2+$0x0], $0xffff;
	s26 =	sadd.s32 $0xFFFFFFF0, s24;
	s28 =	sadd.s32 $0xFFFFFFA0, s24;
	s29 =	sadd.s32 $0xFFFFFFB0, s24;
	v15 =	vand.u32 $0xFFFFFFF0, v47;
	v16 =	vmov s0;
	v17 =	vmov s25  }
0xcf: {  	v13 =	vld.idx.msk [tilespmem:v13+s2+$0x0], $0xffff;
	s31 =	sadd.s32 $0xFFFFFFC0, s24;
	v18 =	vmov s26;
	v19 =	vmov s28;
	v20 =	vmov s29  }
0xd0: {  	v12 =	vld.idx.msk [tilespmem:v12+s2+$0x0], $0xffff;
	v21 =	vmov s31;
	v17 =	vand.u32 $0xFFFFFFF0, v17;
	v18 =	vand.u32 $0xFFFFFFF0, v18  }
0xd1: {  	v10 =	vld.idx.msk [tilespmem:v10+s2+$0x0], $0xffff;
	v15 =	vbroadcast v15, $0x0;
	v21 =	vand.u32 $0xFFFFFFF0, v21;
	v16 =	vand.u32 $0xFFFFFFF0, v16  }
0xd2: {  	v20 =	vand.u32 $0xFFFFFFF0, v20;
	v18 =	vbroadcast v18, $0x0;
	v16 =	vbroadcast v16, $0x0  }
0xd3: {  	v19 =	vand.u32 $0xFFFFFFF0, v19;
	v17 =	vbroadcast v17, $0x0;
	v20 =	vbroadcast v20, $0x0  }
0xd4: {  	v50 =	vbroadcast v21, $0x0;
	v19 =	vbroadcast v19, $0x0;
	v22 =	vshll.u32 v9, v4  }
0xd5: {  	v48 =	vshrl.u32 v9, v3;
	v23 =	vshrl.u32 v12, v3;
	v24 =	vshrl.u32 v13, v3  }
0xd6: {  	v5 =	vld.idx.msk [tilespmem:v5+s2+$0x0], $0xffff;
	v25 =	vshrl.u32 v10, v3;
	v13 =	vshll.u32 v13, v4;
	v14 =	vshll.u32 v14, v4  }
0xd7: {  	v11 =	vld.idx.msk [tilespmem:v11+s2+$0x0], $0xffff;
	v12 =	vshll.u32 v12, v4;
	v10 =	vshll.u32 v10, v4;
	v51 =	vshll.u32 v22, $0x1  }
0xd8: {  	v13 =	vshll.u32 v13, $0x1;
	v14 =	vshll.u32 v14, $0x1;
	v10 =	vshll.u32 v10, $0x1  }
0xd9: {  	v12 =	vshll.u32 v12, $0x1;
	v6 =	vor.u32 v6, v51;
	v14 =	vor.u32 v24, v14  }
0xda: {  	v52 =	vor.u32 v25, v12;
	v53 =	vor.u32 v23, v13;
	v6 =	vmul.u32 $0x204081, v6  }
0xdb: {  	v55 =	vmul.u32 $0x204081, v53;
	v26 =	vshrl.u32 v5, v3;
	v49 =	vshll.u32 v5, v4  }
0xdc: {  	v3 =	vshrl.u32 v11, v3;
	v11 =	vshll.u32 v11, v4;
	v4 =	vshll.u32 v49, $0x1  }
0xdd: {  	v56 =	vmul.u32 $0x204081, v14;
	v11 =	vshll.u32 v11, $0x1;
	v4 =	vor.u32 v48, v4  }
0xde: {  	v6 =	vshrl.u32 v6, $0x15;
	v54 =	vor.u32 v26, v11;
	v4 =	vmul.u32 $0x204081, v4  }
0xdf: {  	v6 =	vand.u32 $0xF, v6;
	v3 =	vor.u32 v3, v10;
	v9 =	vmul.u32 $0x204081, v54  }
0xe0: {  	v10 =	vmul.u32 $0x204081, v52;
	v3 =	vmul.u32 $0x204081, v3;
	v4 =	vshrl.u32 v4, $0x15  }
0xe1: {  	v6 =	vor.u32 v19, v6;
	v9 =	vshrl.u32 v9, $0x15;
	v4 =	vand.u32 $0xF, v4  }
0xe2: {  	v3 =	vshrl.u32 v3, $0x15;
	v9 =	vand.u32 $0xF, v9;
	v4 =	vor.u32 v20, v4  }
0xe3: {  	v57 =	vshrl.u32 v10, $0x15;
	v3 =	vand.u32 $0xF, v3;
	v5 =	vor.u32 v50, v9  }
0xe4: {  	v58 =	vshrl.u32 v55, $0x15;
	v3 =	vor.u32 v16, v3;
	v9 =	vand.u32 $0xF, v57  }
0xe5: {  	v62 =	vld [tilespmem:s23+$0x8480];
	v59 =	vshrl.u32 v56, $0x15;
	v10 =	vand.u32 $0xF, v58;
	v9 =	vor.u32 v17, v9  }
0xe6: {  	v11 =	vand.u32 $0xF, v59;
	v10 =	vor.u32 v18, v10;
	v6 =	vld.idx.msk [tilespmem:v6+s15+$0x0], $0xffff  }
0xe7: {  	v11 =	vor.u32 v15, v11;
	v4 =	vld.idx.msk [tilespmem:v4+s15+$0x0], $0xffff  }
0xe8: {  	v5 =	vld.idx.msk [tilespmem:v5+s15+$0x0], $0xffff  }
0xe9: {  	v3 =	vld.idx.msk [tilespmem:v3+s15+$0x0], $0xffff  }
0xea: {  	v7 =	vxor.u32 v8, v7;
	v9 =	vld.idx.msk [tilespmem:v9+s15+$0x0], $0xffff  }
0xeb: {  	v60 =	vld.idx.msk [tilespmem:v10+s15+$0x0], $0xffff;
	v6 =	vxor.u32 v7, v6  }
0xec: {  	v61 =	vld.idx.msk [tilespmem:v11+s15+$0x0], $0xffff;
	v4 =	vxor.u32 v4, v6  }
0xed: {  	s22 =	sadd.s32 $0x1, s22;
	v4 =	vxor.u32 v5, v4  }
0xee: {  	p1 =	sne.s32 s22, $0x17;
	v3 =	vxor.u32 v3, v4  }
.Ltmp3:
0xef: {  	v3 =	vxor.u32 v9, v3;
	(pc) =	sbr.rel @p1 .LBB2_7-.Ltmp3, $4  }
0xf0: {  	v3 =	vxor.u32 v60, v3  }
0xf1: {  	v63 =	vxor.u32 v62, v2;
	v3 =	vxor.u32 v61, v3  }
0xf2: {  	v3 =	vxor.u32 v3, v63  }
0xf3: {  	[tilespmem:s23+$0x8E80] =	vst v3  }
0xf4: {  	s0 =	sor.u32 s9, s20  }
0xf5: {  	s0 =	sshrl.u32 s0, $0x3  }
.Ltmp4:
0xf6: {  	s20 =	simm.s32 $0x1;
	s0 =	sadd.s32 s6, s0;
	(pc) =	sbr.rel @p0 .LBB2_2-.Ltmp4, $4  }
0xf7: {  	[hbm4b:s0+s16] =	stream.strided.scatter [tilespmem:s18], [sflag:$0x1], $0x180, s17, s16, $0x38;
	[tilespmem:$0x9000] =	vst v63  }
0xf8: {  	_ =	swait.ge [sflag:s20], $0x180  }
0xf9: {  	[sflag:s20] =	ssyncset.done $0x0  }
0xfa: {  	p1 =	por $0x0, $0x0;
	[sflag:s20] =	ssyncadd.s32 $0xFFFFFE80  }
0xfb: {  	s19 =	sadd.s32 $0x1, s19  }
0xfc: {  	p0 =	sne.s32 s19, s10  }
.Ltmp5:
0xfd: {  	_ = 	snop;
	(pc) =	sbr.rel @p0 .LBB2_1-.Ltmp5, $1  }
0xfe: {  	_ =	sdelay $0x3  }
0xff: {  	_ =	sfence.sel $0x180000  }
0x100: {  	[bflag:$0x0] =	sbarrier.arrive $0xFFFF  }
0x101: {  	_ =	strace $0x90000047  }
0x102: {  	[bflag:$0x2] =	sbarrier.arrive $0xFFFF  }
0x103: {  	p0 =	sne.s32 s3, $0x0;
	s0 =	rddreg [dreg:$0x2]  }
0x104: {  	s0 =	sadd.s32 @!p0 $0x100000, s0  }
0x105: {  	[sflag:s0] =	ssyncadd.tile.s32 @!p0 $0x1;
	_ =	shalt  }
.Lfunc_end2:
_tile_overlayer_lowered:
.L_overlay_start_2:
0x106: {  	(tag) =	ssettag $0x2  }
0x107: {  	s0 =	rddreg [dreg:$0x0];
	s2 =	stileid.u32  }
0x108: {  	s1 =	rddreg [dreg:$0x1];
	p0 =	sne.s32 s2, $0x0  }
0x109: {  	s3 =	rddreg [dreg:$0x2];
	[bflag:$0x3] =	sbarrier.arrive $0xFFFF;
	s2 =	simm.s32 @!p0 $0x1C01  }
0x10a: {  	[timem:s3], [sflag:s2] =	dma.local @!p0 [hbm:s0], s1  }
0x10b: {  	s0 =	simm.s32 @!p0 $0x1  }
0x10c: {  	_ =	swait.ge @!p0 [sflag:s0], s1  }
0x10d: {  	s1 =	ssub.s32 @!p0 $0x0, s1;
	[sflag:s0] =	ssyncset.done @!p0 $0x0  }
0x10e: {  	[sflag:s0] =	ssyncadd.s32 @!p0 s1  }
0x10f: {  	[bflag:$0x3] =	sbarrier.arrive $0xFFFF  }
0x110: {  	_ =	shalt  }

</sc_bundles>
